<compile_context>
chip_gen: v7x
topology: tpu7x:2x2x1
jax: 0.10.2.dev20260603
libtpu: 0.0.44.dev20260713+nightly
codegen_flags: <defaults>
</compile_context>

<pallas_src>
import functools

import jax
import jax.numpy as jnp
from jax import lax
from jax.experimental import pallas as pl
from jax.experimental.pallas import tpu as pltpu
from jax.experimental.pallas import tpu_sc as plsc

ROWS = 16384
COLS = 200
NC = 2
NS = 16
NW = NC * NS
LANES = 16
CBLK = 128
COLS_PER_TILE = ROWS // NW
N_BLKS = COLS_PER_TILE // CBLK


def _lut_body(table_hbm, idx_hbm, out_hbm, tab_v, idx_v, out_v,
              in_sem0, in_sem1, out_sem0, out_sem1):
    in_sems = (in_sem0, in_sem1)
    out_sems = (out_sem0, out_sem1)
    wid = lax.axis_index("s") * NC + lax.axis_index("c")
    base = wid * COLS_PER_TILE
    pltpu.sync_copy(table_hbm, tab_v)

    def in_copy(b):
        col0 = base + b * CBLK
        return pltpu.make_async_copy(
            idx_hbm.at[:, pl.ds(col0, CBLK)], idx_v.at[b % 2], in_sems[b % 2])

    def out_copy(b):
        col0 = base + b * CBLK
        return pltpu.make_async_copy(
            out_v.at[b % 2], out_hbm.at[:, pl.ds(col0, CBLK)], out_sems[b % 2])

    in_copy(0).start()
    for b in range(N_BLKS):
        if b + 1 < N_BLKS:
            in_copy(b + 1).start()
        in_copy(b).wait()
        if b >= 2:
            out_copy(b - 2).wait()

        @plsc.parallel_loop(0, COLS, step=1, unroll=2)
        def row_body(r, _b=b % 2):
            for c in range(0, CBLK, LANES):
                iv = (idx_v[_b, r, pl.ds(c, LANES)] + 128) & 255
                out_v[_b, r, pl.ds(c, LANES)] = plsc.load_gather(tab_v, [iv])

        out_copy(b).start()
    out_copy(N_BLKS - 2).wait()
    out_copy(N_BLKS - 1).wait()


@jax.jit
def _lut(table, idx_t):
    mesh = plsc.VectorSubcoreMesh(core_axis_name="c", subcore_axis_name="s")
    f = functools.partial(
        pl.kernel,
        out_type=jax.ShapeDtypeStruct((COLS, ROWS), jnp.float32),
        mesh=mesh,
        compiler_params=pltpu.CompilerParams(
            needs_layout_passes=False,
            skip_device_barrier=True,
            disable_bounds_checks=True,
            disable_semaphore_checks=True,
        ),
        scratch_types=[
            pltpu.VMEM((256,), jnp.float32),
            pltpu.VMEM((2, COLS, CBLK), jnp.int32),
            pltpu.VMEM((2, COLS, CBLK), jnp.float32),
            pltpu.SemaphoreType.DMA,
            pltpu.SemaphoreType.DMA,
            pltpu.SemaphoreType.DMA,
            pltpu.SemaphoreType.DMA,
        ],
    )(_lut_body)
    return f(table, idx_t)


def kernel(table, index):
    out = _lut(table, index.T).T
    scale = jnp.array([2.0 / 256.0], dtype=jnp.float32)
    return (out, scale)

# --- scband reference (transcript-rebuilt; emitter-appended) ---
"""Pipeline reference for scband-look-up-table-15719580304225 (READ-ONLY COPY).

The authoritative reference and input builder live on the scoring server;
editing this copy changes nothing except your own understanding.
"""

import jax, jax.numpy as jnp
import numpy as np


def setup_inputs(seed: int = 0) -> dict:
    key = jax.random.key(seed)
    # 256-entry lookup table (matches init_kwargs table = [0..255] as float buffer)
    table = jnp.arange(256, dtype=jnp.float32)
    # index plays the role of QTensor.int_repr(); restrict to [0, 128) so that
    # index + 128 stays within the 256-entry table (mirrors int8 repr in [-128,127])
    index = jax.random.randint(jax.random.fold_in(key, 1), (16384, 200), 0, 128, dtype=jnp.int32)
    return {"table": table, "index": index}


def reference(table, index):
    # torch.take(self.table, index.int_repr().to(torch.long) + 128)
    out = jnp.take(table, index + 128)
    # QTensor wrapper carried scale = 2/256 and dtype; we return (values, scale)
    scale = jnp.array([2.0 / 256.0], dtype=jnp.float32)
    return (out, scale)

if __name__ == "__main__":
    import jax
    _d = setup_inputs()
    print(jax.jit(kernel)(*tuple(_d.values())))

</pallas_src>

<mosaic_0001>
#map = affine_map<(d0, d1) -> (0)>
#map1 = affine_map<(d0, d1) -> (0, 0)>
module attributes {stable_mosaic.version = 14 : i64} {
  func.func @_lut_body(%arg0: i32, %arg1: i32, %arg2: memref<256xf32, #tpu.memory_space<hbm>>, %arg3: memref<200x16384xi32, #tpu.memory_space<hbm>>, %arg4: memref<200x16384xf32, #tpu.memory_space<hbm>>, %arg5: memref<256xf32, #tpu.memory_space<vmem>>, %arg6: memref<2x200x128xi32, #tpu.memory_space<vmem>>, %arg7: memref<2x200x128xf32, #tpu.memory_space<vmem>>, %arg8: memref<!tpu.dma_semaphore, #tpu.memory_space<semaphore_mem>>, %arg9: memref<!tpu.dma_semaphore, #tpu.memory_space<semaphore_mem>>, %arg10: memref<!tpu.dma_semaphore, #tpu.memory_space<semaphore_mem>>, %arg11: memref<!tpu.dma_semaphore, #tpu.memory_space<semaphore_mem>>) attributes {dimension_semantics = [#tpu.dimension_semantics<core_parallel>, #tpu.dimension_semantics<subcore_parallel>], iteration_bounds = array<i64: 2, 16>, scalar_prefetch = 0 : i64, scratch_operands = 7 : i64, tpu.core_type = #tpu.core_type<sc_vector_subcore>, window_params = [{transform_indices = #map}, {transform_indices = #map1}, {transform_indices = #map1}]} {
    %mul3A = arith.constant 2 : i32
    %mul3A_0 = arith.muli %arg1, %mul3A : i32
    %add3A = arith.addi %mul3A_0, %arg0 : i32
    %mul3A_1 = arith.constant 512 : i32
    %mul3A_2 = arith.muli %add3A, %mul3A_1 : i32
    "tpu.region"() ({
      %run_scoped3A = tpu.sem_alloc : memref<!tpu.dma_semaphore, #tpu.memory_space<semaphore_mem>>
      tpu.enqueue_dma source(%arg2 : memref<256xf32, #tpu.memory_space<hbm>>) target(%arg5 : memref<256xf32, #tpu.memory_space<vmem>>) target_semaphore(%run_scoped3A : memref<!tpu.dma_semaphore, #tpu.memory_space<semaphore_mem>>)
      tpu.wait_dma2 semaphore(%run_scoped3A : memref<!tpu.dma_semaphore, #tpu.memory_space<semaphore_mem>>) src(%arg2 : memref<256xf32, #tpu.memory_space<hbm>>) dst(%arg5 : memref<256xf32, #tpu.memory_space<vmem>>)
      tpu.yield
    }) : () -> ()
    %add3A_3 = arith.constant 0 : i32
    %add3A_4 = arith.addi %mul3A_2, %add3A_3 : i32
    %dma_start3A = arith.constant 0 : i32
    %dma_start3A_5 = arith.constant 0 : i32
    %dma_start3A_6 = arith.constant 0 : i32
    %dma_start3A_7 = tpu.memref_slice %arg6[%dma_start3A, %dma_start3A_5, %dma_start3A_6] : memref<2x200x128xi32, #tpu.memory_space<vmem>> -> memref<1x200x128xi32, #tpu.memory_space<vmem>>
    %dma_start3A_8 = tpu.memref_squeeze %dma_start3A_7 : memref<1x200x128xi32, #tpu.memory_space<vmem>> -> memref<200x128xi32, #tpu.memory_space<vmem>>
    %dma_start3A_9 = arith.constant 0 : i32
    %dma_start3A_10 = tpu.memref_slice %arg3[%dma_start3A_9, %add3A_4] : memref<200x16384xi32, #tpu.memory_space<hbm>> -> memref<200x128xi32, #tpu.memory_space<hbm>>
    %dma_start3A_11 = arith.constant 0 : i32
    %dma_start3A_12 = arith.constant 0 : i32
    %dma_start3A_13 = tpu.memref_slice %arg6[%dma_start3A, %dma_start3A_11, %dma_start3A_12] : memref<2x200x128xi32, #tpu.memory_space<vmem>> -> memref<1x200x128xi32, #tpu.memory_space<vmem>>
    %dma_start3A_14 = tpu.memref_squeeze %dma_start3A_13 : memref<1x200x128xi32, #tpu.memory_space<vmem>> -> memref<200x128xi32, #tpu.memory_space<vmem>>
    %dma_start3A_15 = arith.constant 0 : i32
    %dma_start3A_16 = tpu.memref_slice %arg3[%dma_start3A_15, %add3A_4] : memref<200x16384xi32, #tpu.memory_space<hbm>> -> memref<200x128xi32, #tpu.memory_space<hbm>>
    tpu.enqueue_dma source(%dma_start3A_16 : memref<200x128xi32, #tpu.memory_space<hbm>>) target(%dma_start3A_14 : memref<200x128xi32, #tpu.memory_space<vmem>>) target_semaphore(%arg8 : memref<!tpu.dma_semaphore, #tpu.memory_space<semaphore_mem>>)
    %add3A_17 = arith.constant 128 : i32
    %add3A_18 = arith.addi %mul3A_2, %add3A_17 : i32
    %dma_start3A_19 = arith.constant 1 : i32
    %dma_start3A_20 = arith.constant 0 : i32
    %dma_start3A_21 = arith.constant 0 : i32
    %dma_start3A_22 = tpu.memref_slice %arg6[%dma_start3A_19, %dma_start3A_20, %dma_start3A_21] : memref<2x200x128xi32, #tpu.memory_space<vmem>> -> memref<1x200x128xi32, #tpu.memory_space<vmem>>
    %dma_start3A_23 = tpu.memref_squeeze %dma_start3A_22 : memref<1x200x128xi32, #tpu.memory_space<vmem>> -> memref<200x128xi32, #tpu.memory_space<vmem>>
    %dma_start3A_24 = arith.constant 0 : i32
    %dma_start3A_25 = tpu.memref_slice %arg3[%dma_start3A_24, %add3A_18] : memref<200x16384xi32, #tpu.memory_space<hbm>> -> memref<200x128xi32, #tpu.memory_space<hbm>>
    %dma_start3A_26 = arith.constant 0 : i32
    %dma_start3A_27 = arith.constant 0 : i32
    %dma_start3A_28 = tpu.memref_slice %arg6[%dma_start3A_19, %dma_start3A_26, %dma_start3A_27] : memref<2x200x128xi32, #tpu.memory_space<vmem>> -> memref<1x200x128xi32, #tpu.memory_space<vmem>>
    %dma_start3A_29 = tpu.memref_squeeze %dma_start3A_28 : memref<1x200x128xi32, #tpu.memory_space<vmem>> -> memref<200x128xi32, #tpu.memory_space<vmem>>
    %dma_start3A_30 = arith.constant 0 : i32
    %dma_start3A_31 = tpu.memref_slice %arg3[%dma_start3A_30, %add3A_18] : memref<200x16384xi32, #tpu.memory_space<hbm>> -> memref<200x128xi32, #tpu.memory_space<hbm>>
    tpu.enqueue_dma source(%dma_start3A_31 : memref<200x128xi32, #tpu.memory_space<hbm>>) target(%dma_start3A_29 : memref<200x128xi32, #tpu.memory_space<vmem>>) target_semaphore(%arg9 : memref<!tpu.dma_semaphore, #tpu.memory_space<semaphore_mem>>)
    %add3A_32 = arith.constant 0 : i32
    %add3A_33 = arith.addi %mul3A_2, %add3A_32 : i32
    %dma_wait3A = arith.constant 0 : i32
    %dma_wait3A_34 = arith.constant 0 : i32
    %dma_wait3A_35 = arith.constant 0 : i32
    %dma_wait3A_36 = tpu.memref_slice %arg6[%dma_wait3A, %dma_wait3A_34, %dma_wait3A_35] : memref<2x200x128xi32, #tpu.memory_space<vmem>> -> memref<1x200x128xi32, #tpu.memory_space<vmem>>
    %dma_wait3A_37 = tpu.memref_squeeze %dma_wait3A_36 : memref<1x200x128xi32, #tpu.memory_space<vmem>> -> memref<200x128xi32, #tpu.memory_space<vmem>>
    %dma_wait3A_38 = arith.constant 0 : i32
    %dma_wait3A_39 = tpu.memref_slice %arg3[%dma_wait3A_38, %add3A_33] : memref<200x16384xi32, #tpu.memory_space<hbm>> -> memref<200x128xi32, #tpu.memory_space<hbm>>
    %dma_wait3A_40 = arith.constant 0 : i32
    %dma_wait3A_41 = arith.constant 0 : i32
    %dma_wait3A_42 = tpu.memref_slice %arg6[%dma_wait3A, %dma_wait3A_40, %dma_wait3A_41] : memref<2x200x128xi32, #tpu.memory_space<vmem>> -> memref<1x200x128xi32, #tpu.memory_space<vmem>>
    %dma_wait3A_43 = tpu.memref_squeeze %dma_wait3A_42 : memref<1x200x128xi32, #tpu.memory_space<vmem>> -> memref<200x128xi32, #tpu.memory_space<vmem>>
    %dma_wait3A_44 = arith.constant 0 : i32
    %dma_wait3A_45 = tpu.memref_slice %arg3[%dma_wait3A_44, %add3A_33] : memref<200x16384xi32, #tpu.memory_space<hbm>> -> memref<200x128xi32, #tpu.memory_space<hbm>>
    tpu.wait_dma2 semaphore(%arg8 : memref<!tpu.dma_semaphore, #tpu.memory_space<semaphore_mem>>) src(%dma_wait3A_45 : memref<200x128xi32, #tpu.memory_space<hbm>>) dst(%dma_wait3A_43 : memref<200x128xi32, #tpu.memory_space<vmem>>)
    %parallel_loop3A = arith.constant 0 : i32
    %parallel_loop3A_46 = arith.constant 200 : i32
    %parallel_loop3A_47 = arith.constant 1 : i32
    scf.for %parallel_loop3A_252 = %parallel_loop3A to %parallel_loop3A_46 step %parallel_loop3A_47  : i32 {
      %parallel_loop3A_253 = arith.constant 0 : i32
      %parallel_loop3A_254 = arith.index_cast %parallel_loop3A_253 : i32 to index
      %parallel_loop3A_255 = arith.index_cast %parallel_loop3A_252 : i32 to index
      %parallel_loop3A_256 = arith.constant 0 : index
      %parallel_loop3A_257 = tpu.vector_load %arg6[%parallel_loop3A_254, %parallel_loop3A_255, %parallel_loop3A_256] {strides = array<i32>} : memref<2x200x128xi32, #tpu.memory_space<vmem>>, vector<16xi32>,
      %parallel_loop3A_258 = arith.constant 128 : i32
      %parallel_loop3A_259 = vector.broadcast %parallel_loop3A_258 : i32 to vector<16xi32>
      %parallel_loop3A_260 = arith.addi %parallel_loop3A_257, %parallel_loop3A_259 : vector<16xi32>
      %parallel_loop3A_261 = arith.constant 255 : i32
      %parallel_loop3A_262 = vector.broadcast %parallel_loop3A_261 : i32 to vector<16xi32>
      %parallel_loop3A_263 = arith.andi %parallel_loop3A_260, %parallel_loop3A_262 : vector<16xi32>
      %parallel_loop3A_264 = tpu.vector_load_idx %arg5[%parallel_loop3A_263] : memref<256xf32, #tpu.memory_space<vmem>>[vector<16xi32>], vector<16xf32>,
      %parallel_loop3A_265 = arith.constant 0 : i32
      %parallel_loop3A_266 = arith.index_cast %parallel_loop3A_265 : i32 to index
      %parallel_loop3A_267 = arith.index_cast %parallel_loop3A_252 : i32 to index
      %parallel_loop3A_268 = arith.constant 0 : index
      %parallel_loop3A_269 = tpu.vector_load %arg7[%parallel_loop3A_266, %parallel_loop3A_267, %parallel_loop3A_268] {strides = array<i32>} : memref<2x200x128xf32, #tpu.memory_space<vmem>>, vector<16xf32>,
      tpu.vector_store %arg7[%parallel_loop3A_266, %parallel_loop3A_267, %parallel_loop3A_268], %parallel_loop3A_264 {strides = array<i32>} : memref<2x200x128xf32, #tpu.memory_space<vmem>>, vector<16xf32>,
      %parallel_loop3A_270 = arith.constant 0 : i32
      %parallel_loop3A_271 = arith.index_cast %parallel_loop3A_270 : i32 to index
      %parallel_loop3A_272 = arith.index_cast %parallel_loop3A_252 : i32 to index
      %parallel_loop3A_273 = arith.constant 16 : index
      %parallel_loop3A_274 = tpu.vector_load %arg6[%parallel_loop3A_271, %parallel_loop3A_272, %parallel_loop3A_273] {strides = array<i32>} : memref<2x200x128xi32, #tpu.memory_space<vmem>>, vector<16xi32>,
      %parallel_loop3A_275 = arith.constant 128 : i32
      %parallel_loop3A_276 = vector.broadcast %parallel_loop3A_275 : i32 to vector<16xi32>
      %parallel_loop3A_277 = arith.addi %parallel_loop3A_274, %parallel_loop3A_276 : vector<16xi32>
      %parallel_loop3A_278 = arith.constant 255 : i32
      %parallel_loop3A_279 = vector.broadcast %parallel_loop3A_278 : i32 to vector<16xi32>
      %parallel_loop3A_280 = arith.andi %parallel_loop3A_277, %parallel_loop3A_279 : vector<16xi32>
      %parallel_loop3A_281 = tpu.vector_load_idx %arg5[%parallel_loop3A_280] : memref<256xf32, #tpu.memory_space<vmem>>[vector<16xi32>], vector<16xf32>,
      %parallel_loop3A_282 = arith.constant 0 : i32
      %parallel_loop3A_283 = arith.index_cast %parallel_loop3A_282 : i32 to index
      %parallel_loop3A_284 = arith.index_cast %parallel_loop3A_252 : i32 to index
      %parallel_loop3A_285 = arith.constant 16 : index
      %parallel_loop3A_286 = tpu.vector_load %arg7[%parallel_loop3A_283, %parallel_loop3A_284, %parallel_loop3A_285] {strides = array<i32>} : memref<2x200x128xf32, #tpu.memory_space<vmem>>, vector<16xf32>,
      tpu.vector_store %arg7[%parallel_loop3A_283, %parallel_loop3A_284, %parallel_loop3A_285], %parallel_loop3A_281 {strides = array<i32>} : memref<2x200x128xf32, #tpu.memory_space<vmem>>, vector<16xf32>,
      %parallel_loop3A_287 = arith.constant 0 : i32
      %parallel_loop3A_288 = arith.index_cast %parallel_loop3A_287 : i32 to index
      %parallel_loop3A_289 = arith.index_cast %parallel_loop3A_252 : i32 to index
      %parallel_loop3A_290 = arith.constant 32 : index
      %parallel_loop3A_291 = tpu.vector_load %arg6[%parallel_loop3A_288, %parallel_loop3A_289, %parallel_loop3A_290] {strides = array<i32>} : memref<2x200x128xi32, #tpu.memory_space<vmem>>, vector<16xi32>,
      %parallel_loop3A_292 = arith.constant 128 : i32
      %parallel_loop3A_293 = vector.broadcast %parallel_loop3A_292 : i32 to vector<16xi32>
      %parallel_loop3A_294 = arith.addi %parallel_loop3A_291, %parallel_loop3A_293 : vector<16xi32>
      %parallel_loop3A_295 = arith.constant 255 : i32
      %parallel_loop3A_296 = vector.broadcast %parallel_loop3A_295 : i32 to vector<16xi32>
      %parallel_loop3A_297 = arith.andi %parallel_loop3A_294, %parallel_loop3A_296 : vector<16xi32>
      %parallel_loop3A_298 = tpu.vector_load_idx %arg5[%parallel_loop3A_297] : memref<256xf32, #tpu.memory_space<vmem>>[vector<16xi32>], vector<16xf32>,
      %parallel_loop3A_299 = arith.constant 0 : i32
      %parallel_loop3A_300 = arith.index_cast %parallel_loop3A_299 : i32 to index
      %parallel_loop3A_301 = arith.index_cast %parallel_loop3A_252 : i32 to index
      %parallel_loop3A_302 = arith.constant 32 : index
      %parallel_loop3A_303 = tpu.vector_load %arg7[%parallel_loop3A_300, %parallel_loop3A_301, %parallel_loop3A_302] {strides = array<i32>} : memref<2x200x128xf32, #tpu.memory_space<vmem>>, vector<16xf32>,
      tpu.vector_store %arg7[%parallel_loop3A_300, %parallel_loop3A_301, %parallel_loop3A_302], %parallel_loop3A_298 {strides = array<i32>} : memref<2x200x128xf32, #tpu.memory_space<vmem>>, vector<16xf32>,
      %parallel_loop3A_304 = arith.constant 0 : i32
      %parallel_loop3A_305 = arith.index_cast %parallel_loop3A_304 : i32 to index
      %parallel_loop3A_306 = arith.index_cast %parallel_loop3A_252 : i32 to index
      %parallel_loop3A_307 = arith.constant 48 : index
      %parallel_loop3A_308 = tpu.vector_load %arg6[%parallel_loop3A_305, %parallel_loop3A_306, %parallel_loop3A_307] {strides = array<i32>} : memref<2x200x128xi32, #tpu.memory_space<vmem>>, vector<16xi32>,
      %parallel_loop3A_309 = arith.constant 128 : i32
      %parallel_loop3A_310 = vector.broadcast %parallel_loop3A_309 : i32 to vector<16xi32>
      %parallel_loop3A_311 = arith.addi %parallel_loop3A_308, %parallel_loop3A_310 : vector<16xi32>
      %parallel_loop3A_312 = arith.constant 255 : i32
      %parallel_loop3A_313 = vector.broadcast %parallel_loop3A_312 : i32 to vector<16xi32>
      %parallel_loop3A_314 = arith.andi %parallel_loop3A_311, %parallel_loop3A_313 : vector<16xi32>
      %parallel_loop3A_315 = tpu.vector_load_idx %arg5[%parallel_loop3A_314] : memref<256xf32, #tpu.memory_space<vmem>>[vector<16xi32>], vector<16xf32>,
      %parallel_loop3A_316 = arith.constant 0 : i32
      %parallel_loop3A_317 = arith.index_cast %parallel_loop3A_316 : i32 to index
      %parallel_loop3A_318 = arith.index_cast %parallel_loop3A_252 : i32 to index
      %parallel_loop3A_319 = arith.constant 48 : index
      %parallel_loop3A_320 = tpu.vector_load %arg7[%parallel_loop3A_317, %parallel_loop3A_318, %parallel_loop3A_319] {strides = array<i32>} : memref<2x200x128xf32, #tpu.memory_space<vmem>>, vector<16xf32>,
      tpu.vector_store %arg7[%parallel_loop3A_317, %parallel_loop3A_318, %parallel_loop3A_319], %parallel_loop3A_315 {strides = array<i32>} : memref<2x200x128xf32, #tpu.memory_space<vmem>>, vector<16xf32>,
      %parallel_loop3A_321 = arith.constant 0 : i32
      %parallel_loop3A_322 = arith.index_cast %parallel_loop3A_321 : i32 to index
      %parallel_loop3A_323 = arith.index_cast %parallel_loop3A_252 : i32 to index
      %parallel_loop3A_324 = arith.constant 64 : index
      %parallel_loop3A_325 = tpu.vector_load %arg6[%parallel_loop3A_322, %parallel_loop3A_323, %parallel_loop3A_324] {strides = array<i32>} : memref<2x200x128xi32, #tpu.memory_space<vmem>>, vector<16xi32>,
      %parallel_loop3A_326 = arith.constant 128 : i32
      %parallel_loop3A_327 = vector.broadcast %parallel_loop3A_326 : i32 to vector<16xi32>
      %parallel_loop3A_328 = arith.addi %parallel_loop3A_325, %parallel_loop3A_327 : vector<16xi32>
      %parallel_loop3A_329 = arith.constant 255 : i32
      %parallel_loop3A_330 = vector.broadcast %parallel_loop3A_329 : i32 to vector<16xi32>
      %parallel_loop3A_331 = arith.andi %parallel_loop3A_328, %parallel_loop3A_330 : vector<16xi32>
      %parallel_loop3A_332 = tpu.vector_load_idx %arg5[%parallel_loop3A_331] : memref<256xf32, #tpu.memory_space<vmem>>[vector<16xi32>], vector<16xf32>,
      %parallel_loop3A_333 = arith.constant 0 : i32
      %parallel_loop3A_334 = arith.index_cast %parallel_loop3A_333 : i32 to index
      %parallel_loop3A_335 = arith.index_cast %parallel_loop3A_252 : i32 to index
      %parallel_loop3A_336 = arith.constant 64 : index
      %parallel_loop3A_337 = tpu.vector_load %arg7[%parallel_loop3A_334, %parallel_loop3A_335, %parallel_loop3A_336] {strides = array<i32>} : memref<2x200x128xf32, #tpu.memory_space<vmem>>, vector<16xf32>,
      tpu.vector_store %arg7[%parallel_loop3A_334, %parallel_loop3A_335, %parallel_loop3A_336], %parallel_loop3A_332 {strides = array<i32>} : memref<2x200x128xf32, #tpu.memory_space<vmem>>, vector<16xf32>,
      %parallel_loop3A_338 = arith.constant 0 : i32
      %parallel_loop3A_339 = arith.index_cast %parallel_loop3A_338 : i32 to index
      %parallel_loop3A_340 = arith.index_cast %parallel_loop3A_252 : i32 to index
      %parallel_loop3A_341 = arith.constant 80 : index
      %parallel_loop3A_342 = tpu.vector_load %arg6[%parallel_loop3A_339, %parallel_loop3A_340, %parallel_loop3A_341] {strides = array<i32>} : memref<2x200x128xi32, #tpu.memory_space<vmem>>, vector<16xi32>,
      %parallel_loop3A_343 = arith.constant 128 : i32
      %parallel_loop3A_344 = vector.broadcast %parallel_loop3A_343 : i32 to vector<16xi32>
      %parallel_loop3A_345 = arith.addi %parallel_loop3A_342, %parallel_loop3A_344 : vector<16xi32>
      %parallel_loop3A_346 = arith.constant 255 : i32
      %parallel_loop3A_347 = vector.broadcast %parallel_loop3A_346 : i32 to vector<16xi32>
      %parallel_loop3A_348 = arith.andi %parallel_loop3A_345, %parallel_loop3A_347 : vector<16xi32>
      %parallel_loop3A_349 = tpu.vector_load_idx %arg5[%parallel_loop3A_348] : memref<256xf32, #tpu.memory_space<vmem>>[vector<16xi32>], vector<16xf32>,
      %parallel_loop3A_350 = arith.constant 0 : i32
      %parallel_loop3A_351 = arith.index_cast %parallel_loop3A_350 : i32 to index
      %parallel_loop3A_352 = arith.index_cast %parallel_loop3A_252 : i32 to index
      %parallel_loop3A_353 = arith.constant 80 : index
      %parallel_loop3A_354 = tpu.vector_load %arg7[%parallel_loop3A_351, %parallel_loop3A_352, %parallel_loop3A_353] {strides = array<i32>} : memref<2x200x128xf32, #tpu.memory_space<vmem>>, vector<16xf32>,
      tpu.vector_store %arg7[%parallel_loop3A_351, %parallel_loop3A_352, %parallel_loop3A_353], %parallel_loop3A_349 {strides = array<i32>} : memref<2x200x128xf32, #tpu.memory_space<vmem>>, vector<16xf32>,
      %parallel_loop3A_355 = arith.constant 0 : i32
      %parallel_loop3A_356 = arith.index_cast %parallel_loop3A_355 : i32 to index
      %parallel_loop3A_357 = arith.index_cast %parallel_loop3A_252 : i32 to index
      %parallel_loop3A_358 = arith.constant 96 : index
      %parallel_loop3A_359 = tpu.vector_load %arg6[%parallel_loop3A_356, %parallel_loop3A_357, %parallel_loop3A_358] {strides = array<i32>} : memref<2x200x128xi32, #tpu.memory_space<vmem>>, vector<16xi32>,
      %parallel_loop3A_360 = arith.constant 128 : i32
      %parallel_loop3A_361 = vector.broadcast %parallel_loop3A_360 : i32 to vector<16xi32>
      %parallel_loop3A_362 = arith.addi %parallel_loop3A_359, %parallel_loop3A_361 : vector<16xi32>
      %parallel_loop3A_363 = arith.constant 255 : i32
      %parallel_loop3A_364 = vector.broadcast %parallel_loop3A_363 : i32 to vector<16xi32>
      %parallel_loop3A_365 = arith.andi %parallel_loop3A_362, %parallel_loop3A_364 : vector<16xi32>
      %parallel_loop3A_366 = tpu.vector_load_idx %arg5[%parallel_loop3A_365] : memref<256xf32, #tpu.memory_space<vmem>>[vector<16xi32>], vector<16xf32>,
      %parallel_loop3A_367 = arith.constant 0 : i32
      %parallel_loop3A_368 = arith.index_cast %parallel_loop3A_367 : i32 to index
      %parallel_loop3A_369 = arith.index_cast %parallel_loop3A_252 : i32 to index
      %parallel_loop3A_370 = arith.constant 96 : index
      %parallel_loop3A_371 = tpu.vector_load %arg7[%parallel_loop3A_368, %parallel_loop3A_369, %parallel_loop3A_370] {strides = array<i32>} : memref<2x200x128xf32, #tpu.memory_space<vmem>>, vector<16xf32>,
      tpu.vector_store %arg7[%parallel_loop3A_368, %parallel_loop3A_369, %parallel_loop3A_370], %parallel_loop3A_366 {strides = array<i32>} : memref<2x200x128xf32, #tpu.memory_space<vmem>>, vector<16xf32>,
      %parallel_loop3A_372 = arith.constant 0 : i32
      %parallel_loop3A_373 = arith.index_cast %parallel_loop3A_372 : i32 to index
      %parallel_loop3A_374 = arith.index_cast %parallel_loop3A_252 : i32 to index
      %parallel_loop3A_375 = arith.constant 112 : index
      %parallel_loop3A_376 = tpu.vector_load %arg6[%parallel_loop3A_373, %parallel_loop3A_374, %parallel_loop3A_375] {strides = array<i32>} : memref<2x200x128xi32, #tpu.memory_space<vmem>>, vector<16xi32>,
      %parallel_loop3A_377 = arith.constant 128 : i32
      %parallel_loop3A_378 = vector.broadcast %parallel_loop3A_377 : i32 to vector<16xi32>
      %parallel_loop3A_379 = arith.addi %parallel_loop3A_376, %parallel_loop3A_378 : vector<16xi32>
      %parallel_loop3A_380 = arith.constant 255 : i32
      %parallel_loop3A_381 = vector.broadcast %parallel_loop3A_380 : i32 to vector<16xi32>
      %parallel_loop3A_382 = arith.andi %parallel_loop3A_379, %parallel_loop3A_381 : vector<16xi32>
      %parallel_loop3A_383 = tpu.vector_load_idx %arg5[%parallel_loop3A_382] : memref<256xf32, #tpu.memory_space<vmem>>[vector<16xi32>], vector<16xf32>,
      %parallel_loop3A_384 = arith.constant 0 : i32
      %parallel_loop3A_385 = arith.index_cast %parallel_loop3A_384 : i32 to index
      %parallel_loop3A_386 = arith.index_cast %parallel_loop3A_252 : i32 to index
      %parallel_loop3A_387 = arith.constant 112 : index
      %parallel_loop3A_388 = tpu.vector_load %arg7[%parallel_loop3A_385, %parallel_loop3A_386, %parallel_loop3A_387] {strides = array<i32>} : memref<2x200x128xf32, #tpu.memory_space<vmem>>, vector<16xf32>,
      tpu.vector_store %arg7[%parallel_loop3A_385, %parallel_loop3A_386, %parallel_loop3A_387], %parallel_loop3A_383 {strides = array<i32>} : memref<2x200x128xf32, #tpu.memory_space<vmem>>, vector<16xf32>,
    } {sc.loop_unroll_factor = 2 : i64, sc.parallel_access}
    %add3A_48 = arith.constant 0 : i32
    %add3A_49 = arith.addi %mul3A_2, %add3A_48 : i32
    %dma_start3A_50 = arith.constant 0 : i32
    %dma_start3A_51 = arith.constant 0 : i32
    %dma_start3A_52 = arith.constant 0 : i32
    %dma_start3A_53 = tpu.memref_slice %arg7[%dma_start3A_50, %dma_start3A_51, %dma_start3A_52] : memref<2x200x128xf32, #tpu.memory_space<vmem>> -> memref<1x200x128xf32, #tpu.memory_space<vmem>>
    %dma_start3A_54 = tpu.memref_squeeze %dma_start3A_53 : memref<1x200x128xf32, #tpu.memory_space<vmem>> -> memref<200x128xf32, #tpu.memory_space<vmem>>
    %dma_start3A_55 = arith.constant 0 : i32
    %dma_start3A_56 = tpu.memref_slice %arg4[%dma_start3A_55, %add3A_49] : memref<200x16384xf32, #tpu.memory_space<hbm>> -> memref<200x128xf32, #tpu.memory_space<hbm>>
    %dma_start3A_57 = arith.constant 0 : i32
    %dma_start3A_58 = tpu.memref_slice %arg4[%dma_start3A_57, %add3A_49] : memref<200x16384xf32, #tpu.memory_space<hbm>> -> memref<200x128xf32, #tpu.memory_space<hbm>>
    %dma_start3A_59 = arith.constant 0 : i32
    %dma_start3A_60 = arith.constant 0 : i32
    %dma_start3A_61 = tpu.memref_slice %arg7[%dma_start3A_50, %dma_start3A_59, %dma_start3A_60] : memref<2x200x128xf32, #tpu.memory_space<vmem>> -> memref<1x200x128xf32, #tpu.memory_space<vmem>>
    %dma_start3A_62 = tpu.memref_squeeze %dma_start3A_61 : memref<1x200x128xf32, #tpu.memory_space<vmem>> -> memref<200x128xf32, #tpu.memory_space<vmem>>
    tpu.enqueue_dma source(%dma_start3A_62 : memref<200x128xf32, #tpu.memory_space<vmem>>) target(%dma_start3A_58 : memref<200x128xf32, #tpu.memory_space<hbm>>) target_semaphore(%arg10 : memref<!tpu.dma_semaphore, #tpu.memory_space<semaphore_mem>>)
    %add3A_63 = arith.constant 256 : i32
    %add3A_64 = arith.addi %mul3A_2, %add3A_63 : i32
    %dma_start3A_65 = arith.constant 0 : i32
    %dma_start3A_66 = arith.constant 0 : i32
    %dma_start3A_67 = arith.constant 0 : i32
    %dma_start3A_68 = tpu.memref_slice %arg6[%dma_start3A_65, %dma_start3A_66, %dma_start3A_67] : memref<2x200x128xi32, #tpu.memory_space<vmem>> -> memref<1x200x128xi32, #tpu.memory_space<vmem>>
    %dma_start3A_69 = tpu.memref_squeeze %dma_start3A_68 : memref<1x200x128xi32, #tpu.memory_space<vmem>> -> memref<200x128xi32, #tpu.memory_space<vmem>>
    %dma_start3A_70 = arith.constant 0 : i32
    %dma_start3A_71 = tpu.memref_slice %arg3[%dma_start3A_70, %add3A_64] : memref<200x16384xi32, #tpu.memory_space<hbm>> -> memref<200x128xi32, #tpu.memory_space<hbm>>
    %dma_start3A_72 = arith.constant 0 : i32
    %dma_start3A_73 = arith.constant 0 : i32
    %dma_start3A_74 = tpu.memref_slice %arg6[%dma_start3A_65, %dma_start3A_72, %dma_start3A_73] : memref<2x200x128xi32, #tpu.memory_space<vmem>> -> memref<1x200x128xi32, #tpu.memory_space<vmem>>
    %dma_start3A_75 = tpu.memref_squeeze %dma_start3A_74 : memref<1x200x128xi32, #tpu.memory_space<vmem>> -> memref<200x128xi32, #tpu.memory_space<vmem>>
    %dma_start3A_76 = arith.constant 0 : i32
    %dma_start3A_77 = tpu.memref_slice %arg3[%dma_start3A_76, %add3A_64] : memref<200x16384xi32, #tpu.memory_space<hbm>> -> memref<200x128xi32, #tpu.memory_space<hbm>>
    tpu.enqueue_dma source(%dma_start3A_77 : memref<200x128xi32, #tpu.memory_space<hbm>>) target(%dma_start3A_75 : memref<200x128xi32, #tpu.memory_space<vmem>>) target_semaphore(%arg8 : memref<!tpu.dma_semaphore, #tpu.memory_space<semaphore_mem>>)
    %add3A_78 = arith.constant 128 : i32
    %add3A_79 = arith.addi %mul3A_2, %add3A_78 : i32
    %dma_wait3A_80 = arith.constant 1 : i32
    %dma_wait3A_81 = arith.constant 0 : i32
    %dma_wait3A_82 = arith.constant 0 : i32
    %dma_wait3A_83 = tpu.memref_slice %arg6[%dma_wait3A_80, %dma_wait3A_81, %dma_wait3A_82] : memref<2x200x128xi32, #tpu.memory_space<vmem>> -> memref<1x200x128xi32, #tpu.memory_space<vmem>>
    %dma_wait3A_84 = tpu.memref_squeeze %dma_wait3A_83 : memref<1x200x128xi32, #tpu.memory_space<vmem>> -> memref<200x128xi32, #tpu.memory_space<vmem>>
    %dma_wait3A_85 = arith.constant 0 : i32
    %dma_wait3A_86 = tpu.memref_slice %arg3[%dma_wait3A_85, %add3A_79] : memref<200x16384xi32, #tpu.memory_space<hbm>> -> memref<200x128xi32, #tpu.memory_space<hbm>>
    %dma_wait3A_87 = arith.constant 0 : i32
    %dma_wait3A_88 = arith.constant 0 : i32
    %dma_wait3A_89 = tpu.memref_slice %arg6[%dma_wait3A_80, %dma_wait3A_87, %dma_wait3A_88] : memref<2x200x128xi32, #tpu.memory_space<vmem>> -> memref<1x200x128xi32, #tpu.memory_space<vmem>>
    %dma_wait3A_90 = tpu.memref_squeeze %dma_wait3A_89 : memref<1x200x128xi32, #tpu.memory_space<vmem>> -> memref<200x128xi32, #tpu.memory_space<vmem>>
    %dma_wait3A_91 = arith.constant 0 : i32
    %dma_wait3A_92 = tpu.memref_slice %arg3[%dma_wait3A_91, %add3A_79] : memref<200x16384xi32, #tpu.memory_space<hbm>> -> memref<200x128xi32, #tpu.memory_space<hbm>>
    tpu.wait_dma2 semaphore(%arg9 : memref<!tpu.dma_semaphore, #tpu.memory_space<semaphore_mem>>) src(%dma_wait3A_92 : memref<200x128xi32, #tpu.memory_space<hbm>>) dst(%dma_wait3A_90 : memref<200x128xi32, #tpu.memory_space<vmem>>)
    %parallel_loop3A_93 = arith.constant 0 : i32
    %parallel_loop3A_94 = arith.constant 200 : i32
    %parallel_loop3A_95 = arith.constant 1 : i32
    scf.for %parallel_loop3A_252 = %parallel_loop3A_93 to %parallel_loop3A_94 step %parallel_loop3A_95  : i32 {
      %parallel_loop3A_253 = arith.constant 1 : i32
      %parallel_loop3A_254 = arith.index_cast %parallel_loop3A_253 : i32 to index
      %parallel_loop3A_255 = arith.index_cast %parallel_loop3A_252 : i32 to index
      %parallel_loop3A_256 = arith.constant 0 : index
      %parallel_loop3A_257 = tpu.vector_load %arg6[%parallel_loop3A_254, %parallel_loop3A_255, %parallel_loop3A_256] {strides = array<i32>} : memref<2x200x128xi32, #tpu.memory_space<vmem>>, vector<16xi32>,
      %parallel_loop3A_258 = arith.constant 128 : i32
      %parallel_loop3A_259 = vector.broadcast %parallel_loop3A_258 : i32 to vector<16xi32>
      %parallel_loop3A_260 = arith.addi %parallel_loop3A_257, %parallel_loop3A_259 : vector<16xi32>
      %parallel_loop3A_261 = arith.constant 255 : i32
      %parallel_loop3A_262 = vector.broadcast %parallel_loop3A_261 : i32 to vector<16xi32>
      %parallel_loop3A_263 = arith.andi %parallel_loop3A_260, %parallel_loop3A_262 : vector<16xi32>
      %parallel_loop3A_264 = tpu.vector_load_idx %arg5[%parallel_loop3A_263] : memref<256xf32, #tpu.memory_space<vmem>>[vector<16xi32>], vector<16xf32>,
      %parallel_loop3A_265 = arith.constant 1 : i32
      %parallel_loop3A_266 = arith.index_cast %parallel_loop3A_265 : i32 to index
      %parallel_loop3A_267 = arith.index_cast %parallel_loop3A_252 : i32 to index
      %parallel_loop3A_268 = arith.constant 0 : index
      %parallel_loop3A_269 = tpu.vector_load %arg7[%parallel_loop3A_266, %parallel_loop3A_267, %parallel_loop3A_268] {strides = array<i32>} : memref<2x200x128xf32, #tpu.memory_space<vmem>>, vector<16xf32>,
      tpu.vector_store %arg7[%parallel_loop3A_266, %parallel_loop3A_267, %parallel_loop3A_268], %parallel_loop3A_264 {strides = array<i32>} : memref<2x200x128xf32, #tpu.memory_space<vmem>>, vector<16xf32>,
      %parallel_loop3A_270 = arith.constant 1 : i32
      %parallel_loop3A_271 = arith.index_cast %parallel_loop3A_270 : i32 to index
      %parallel_loop3A_272 = arith.index_cast %parallel_loop3A_252 : i32 to index
      %parallel_loop3A_273 = arith.constant 16 : index
      %parallel_loop3A_274 = tpu.vector_load %arg6[%parallel_loop3A_271, %parallel_loop3A_272, %parallel_loop3A_273] {strides = array<i32>} : memref<2x200x128xi32, #tpu.memory_space<vmem>>, vector<16xi32>,
      %parallel_loop3A_275 = arith.constant 128 : i32
      %parallel_loop3A_276 = vector.broadcast %parallel_loop3A_275 : i32 to vector<16xi32>
      %parallel_loop3A_277 = arith.addi %parallel_loop3A_274, %parallel_loop3A_276 : vector<16xi32>
      %parallel_loop3A_278 = arith.constant 255 : i32
      %parallel_loop3A_279 = vector.broadcast %parallel_loop3A_278 : i32 to vector<16xi32>
      %parallel_loop3A_280 = arith.andi %parallel_loop3A_277, %parallel_loop3A_279 : vector<16xi32>
      %parallel_loop3A_281 = tpu.vector_load_idx %arg5[%parallel_loop3A_280] : memref<256xf32, #tpu.memory_space<vmem>>[vector<16xi32>], vector<16xf32>,
      %parallel_loop3A_282 = arith.constant 1 : i32
      %parallel_loop3A_283 = arith.index_cast %parallel_loop3A_282 : i32 to index
      %parallel_loop3A_284 = arith.index_cast %parallel_loop3A_252 : i32 to index
      %parallel_loop3A_285 = arith.constant 16 : index
      %parallel_loop3A_286 = tpu.vector_load %arg7[%parallel_loop3A_283, %parallel_loop3A_284, %parallel_loop3A_285] {strides = array<i32>} : memref<2x200x128xf32, #tpu.memory_space<vmem>>, vector<16xf32>,
      tpu.vector_store %arg7[%parallel_loop3A_283, %parallel_loop3A_284, %parallel_loop3A_285], %parallel_loop3A_281 {strides = array<i32>} : memref<2x200x128xf32, #tpu.memory_space<vmem>>, vector<16xf32>,
      %parallel_loop3A_287 = arith.constant 1 : i32
      %parallel_loop3A_288 = arith.index_cast %parallel_loop3A_287 : i32 to index
      %parallel_loop3A_289 = arith.index_cast %parallel_loop3A_252 : i32 to index
      %parallel_loop3A_290 = arith.constant 32 : index
      %parallel_loop3A_291 = tpu.vector_load %arg6[%parallel_loop3A_288, %parallel_loop3A_289, %parallel_loop3A_290] {strides = array<i32>} : memref<2x200x128xi32, #tpu.memory_space<vmem>>, vector<16xi32>,
      %parallel_loop3A_292 = arith.constant 128 : i32
      %parallel_loop3A_293 = vector.broadcast %parallel_loop3A_292 : i32 to vector<16xi32>
      %parallel_loop3A_294 = arith.addi %parallel_loop3A_291, %parallel_loop3A_293 : vector<16xi32>
      %parallel_loop3A_295 = arith.constant 255 : i32
      %parallel_loop3A_296 = vector.broadcast %parallel_loop3A_295 : i32 to vector<16xi32>
      %parallel_loop3A_297 = arith.andi %parallel_loop3A_294, %parallel_loop3A_296 : vector<16xi32>
      %parallel_loop3A_298 = tpu.vector_load_idx %arg5[%parallel_loop3A_297] : memref<256xf32, #tpu.memory_space<vmem>>[vector<16xi32>], vector<16xf32>,
      %parallel_loop3A_299 = arith.constant 1 : i32
      %parallel_loop3A_300 = arith.index_cast %parallel_loop3A_299 : i32 to index
      %parallel_loop3A_301 = arith.index_cast %parallel_loop3A_252 : i32 to index
      %parallel_loop3A_302 = arith.constant 32 : index
      %parallel_loop3A_303 = tpu.vector_load %arg7[%parallel_loop3A_300, %parallel_loop3A_301, %parallel_loop3A_302] {strides = array<i32>} : memref<2x200x128xf32, #tpu.memory_space<vmem>>, vector<16xf32>,
      tpu.vector_store %arg7[%parallel_loop3A_300, %parallel_loop3A_301, %parallel_loop3A_302], %parallel_loop3A_298 {strides = array<i32>} : memref<2x200x128xf32, #tpu.memory_space<vmem>>, vector<16xf32>,
      %parallel_loop3A_304 = arith.constant 1 : i32
      %parallel_loop3A_305 = arith.index_cast %parallel_loop3A_304 : i32 to index
      %parallel_loop3A_306 = arith.index_cast %parallel_loop3A_252 : i32 to index
      %parallel_loop3A_307 = arith.constant 48 : index
      %parallel_loop3A_308 = tpu.vector_load %arg6[%parallel_loop3A_305, %parallel_loop3A_306, %parallel_loop3A_307] {strides = array<i32>} : memref<2x200x128xi32, #tpu.memory_space<vmem>>, vector<16xi32>,
      %parallel_loop3A_309 = arith.constant 128 : i32
      %parallel_loop3A_310 = vector.broadcast %parallel_loop3A_309 : i32 to vector<16xi32>
      %parallel_loop3A_311 = arith.addi %parallel_loop3A_308, %parallel_loop3A_310 : vector<16xi32>
      %parallel_loop3A_312 = arith.constant 255 : i32
      %parallel_loop3A_313 = vector.broadcast %parallel_loop3A_312 : i32 to vector<16xi32>
      %parallel_loop3A_314 = arith.andi %parallel_loop3A_311, %parallel_loop3A_313 : vector<16xi32>
      %parallel_loop3A_315 = tpu.vector_load_idx %arg5[%parallel_loop3A_314] : memref<256xf32, #tpu.memory_space<vmem>>[vector<16xi32>], vector<16xf32>,
      %parallel_loop3A_316 = arith.constant 1 : i32
      %parallel_loop3A_317 = arith.index_cast %parallel_loop3A_316 : i32 to index
      %parallel_loop3A_318 = arith.index_cast %parallel_loop3A_252 : i32 to index
      %parallel_loop3A_319 = arith.constant 48 : index
      %parallel_loop3A_320 = tpu.vector_load %arg7[%parallel_loop3A_317, %parallel_loop3A_318, %parallel_loop3A_319] {strides = array<i32>} : memref<2x200x128xf32, #tpu.memory_space<vmem>>, vector<16xf32>,
      tpu.vector_store %arg7[%parallel_loop3A_317, %parallel_loop3A_318, %parallel_loop3A_319], %parallel_loop3A_315 {strides = array<i32>} : memref<2x200x128xf32, #tpu.memory_space<vmem>>, vector<16xf32>,
      %parallel_loop3A_321 = arith.constant 1 : i32
      %parallel_loop3A_322 = arith.index_cast %parallel_loop3A_321 : i32 to index
      %parallel_loop3A_323 = arith.index_cast %parallel_loop3A_252 : i32 to index
      %parallel_loop3A_324 = arith.constant 64 : index
      %parallel_loop3A_325 = tpu.vector_load %arg6[%parallel_loop3A_322, %parallel_loop3A_323, %parallel_loop3A_324] {strides = array<i32>} : memref<2x200x128xi32, #tpu.memory_space<vmem>>, vector<16xi32>,
      %parallel_loop3A_326 = arith.constant 128 : i32
      %parallel_loop3A_327 = vector.broadcast %parallel_loop3A_326 : i32 to vector<16xi32>
      %parallel_loop3A_328 = arith.addi %parallel_loop3A_325, %parallel_loop3A_327 : vector<16xi32>
      %parallel_loop3A_329 = arith.constant 255 : i32
      %parallel_loop3A_330 = vector.broadcast %parallel_loop3A_329 : i32 to vector<16xi32>
      %parallel_loop3A_331 = arith.andi %parallel_loop3A_328, %parallel_loop3A_330 : vector<16xi32>
      %parallel_loop3A_332 = tpu.vector_load_idx %arg5[%parallel_loop3A_331] : memref<256xf32, #tpu.memory_space<vmem>>[vector<16xi32>], vector<16xf32>,
      %parallel_loop3A_333 = arith.constant 1 : i32
      %parallel_loop3A_334 = arith.index_cast %parallel_loop3A_333 : i32 to index
      %parallel_loop3A_335 = arith.index_cast %parallel_loop3A_252 : i32 to index
      %parallel_loop3A_336 = arith.constant 64 : index
      %parallel_loop3A_337 = tpu.vector_load %arg7[%parallel_loop3A_334, %parallel_loop3A_335, %parallel_loop3A_336] {strides = array<i32>} : memref<2x200x128xf32, #tpu.memory_space<vmem>>, vector<16xf32>,
      tpu.vector_store %arg7[%parallel_loop3A_334, %parallel_loop3A_335, %parallel_loop3A_336], %parallel_loop3A_332 {strides = array<i32>} : memref<2x200x128xf32, #tpu.memory_space<vmem>>, vector<16xf32>,
      %parallel_loop3A_338 = arith.constant 1 : i32
      %parallel_loop3A_339 = arith.index_cast %parallel_loop3A_338 : i32 to index
      %parallel_loop3A_340 = arith.index_cast %parallel_loop3A_252 : i32 to index
      %parallel_loop3A_341 = arith.constant 80 : index
      %parallel_loop3A_342 = tpu.vector_load %arg6[%parallel_loop3A_339, %parallel_loop3A_340, %parallel_loop3A_341] {strides = array<i32>} : memref<2x200x128xi32, #tpu.memory_space<vmem>>, vector<16xi32>,
      %parallel_loop3A_343 = arith.constant 128 : i32
      %parallel_loop3A_344 = vector.broadcast %parallel_loop3A_343 : i32 to vector<16xi32>
      %parallel_loop3A_345 = arith.addi %parallel_loop3A_342, %parallel_loop3A_344 : vector<16xi32>
      %parallel_loop3A_346 = arith.constant 255 : i32
      %parallel_loop3A_347 = vector.broadcast %parallel_loop3A_346 : i32 to vector<16xi32>
      %parallel_loop3A_348 = arith.andi %parallel_loop3A_345, %parallel_loop3A_347 : vector<16xi32>
      %parallel_loop3A_349 = tpu.vector_load_idx %arg5[%parallel_loop3A_348] : memref<256xf32, #tpu.memory_space<vmem>>[vector<16xi32>], vector<16xf32>,
      %parallel_loop3A_350 = arith.constant 1 : i32
      %parallel_loop3A_351 = arith.index_cast %parallel_loop3A_350 : i32 to index
      %parallel_loop3A_352 = arith.index_cast %parallel_loop3A_252 : i32 to index
      %parallel_loop3A_353 = arith.constant 80 : index
      %parallel_loop3A_354 = tpu.vector_load %arg7[%parallel_loop3A_351, %parallel_loop3A_352, %parallel_loop3A_353] {strides = array<i32>} : memref<2x200x128xf32, #tpu.memory_space<vmem>>, vector<16xf32>,
      tpu.vector_store %arg7[%parallel_loop3A_351, %parallel_loop3A_352, %parallel_loop3A_353], %parallel_loop3A_349 {strides = array<i32>} : memref<2x200x128xf32, #tpu.memory_space<vmem>>, vector<16xf32>,
      %parallel_loop3A_355 = arith.constant 1 : i32
      %parallel_loop3A_356 = arith.index_cast %parallel_loop3A_355 : i32 to index
      %parallel_loop3A_357 = arith.index_cast %parallel_loop3A_252 : i32 to index
      %parallel_loop3A_358 = arith.constant 96 : index
      %parallel_loop3A_359 = tpu.vector_load %arg6[%parallel_loop3A_356, %parallel_loop3A_357, %parallel_loop3A_358] {strides = array<i32>} : memref<2x200x128xi32, #tpu.memory_space<vmem>>, vector<16xi32>,
      %parallel_loop3A_360 = arith.constant 128 : i32
      %parallel_loop3A_361 = vector.broadcast %parallel_loop3A_360 : i32 to vector<16xi32>
      %parallel_loop3A_362 = arith.addi %parallel_loop3A_359, %parallel_loop3A_361 : vector<16xi32>
      %parallel_loop3A_363 = arith.constant 255 : i32
      %parallel_loop3A_364 = vector.broadcast %parallel_loop3A_363 : i32 to vector<16xi32>
      %parallel_loop3A_365 = arith.andi %parallel_loop3A_362, %parallel_loop3A_364 : vector<16xi32>
      %parallel_loop3A_366 = tpu.vector_load_idx %arg5[%parallel_loop3A_365] : memref<256xf32, #tpu.memory_space<vmem>>[vector<16xi32>], vector<16xf32>,
      %parallel_loop3A_367 = arith.constant 1 : i32
      %parallel_loop3A_368 = arith.index_cast %parallel_loop3A_367 : i32 to index
      %parallel_loop3A_369 = arith.index_cast %parallel_loop3A_252 : i32 to index
      %parallel_loop3A_370 = arith.constant 96 : index
      %parallel_loop3A_371 = tpu.vector_load %arg7[%parallel_loop3A_368, %parallel_loop3A_369, %parallel_loop3A_370] {strides = array<i32>} : memref<2x200x128xf32, #tpu.memory_space<vmem>>, vector<16xf32>,
      tpu.vector_store %arg7[%parallel_loop3A_368, %parallel_loop3A_369, %parallel_loop3A_370], %parallel_loop3A_366 {strides = array<i32>} : memref<2x200x128xf32, #tpu.memory_space<vmem>>, vector<16xf32>,
      %parallel_loop3A_372 = arith.constant 1 : i32
      %parallel_loop3A_373 = arith.index_cast %parallel_loop3A_372 : i32 to index
      %parallel_loop3A_374 = arith.index_cast %parallel_loop3A_252 : i32 to index
      %parallel_loop3A_375 = arith.constant 112 : index
      %parallel_loop3A_376 = tpu.vector_load %arg6[%parallel_loop3A_373, %parallel_loop3A_374, %parallel_loop3A_375] {strides = array<i32>} : memref<2x200x128xi32, #tpu.memory_space<vmem>>, vector<16xi32>,
      %parallel_loop3A_377 = arith.constant 128 : i32
      %parallel_loop3A_378 = vector.broadcast %parallel_loop3A_377 : i32 to vector<16xi32>
      %parallel_loop3A_379 = arith.addi %parallel_loop3A_376, %parallel_loop3A_378 : vector<16xi32>
      %parallel_loop3A_380 = arith.constant 255 : i32
      %parallel_loop3A_381 = vector.broadcast %parallel_loop3A_380 : i32 to vector<16xi32>
      %parallel_loop3A_382 = arith.andi %parallel_loop3A_379, %parallel_loop3A_381 : vector<16xi32>
      %parallel_loop3A_383 = tpu.vector_load_idx %arg5[%parallel_loop3A_382] : memref<256xf32, #tpu.memory_space<vmem>>[vector<16xi32>], vector<16xf32>,
      %parallel_loop3A_384 = arith.constant 1 : i32
      %parallel_loop3A_385 = arith.index_cast %parallel_loop3A_384 : i32 to index
      %parallel_loop3A_386 = arith.index_cast %parallel_loop3A_252 : i32 to index
      %parallel_loop3A_387 = arith.constant 112 : index
      %parallel_loop3A_388 = tpu.vector_load %arg7[%parallel_loop3A_385, %parallel_loop3A_386, %parallel_loop3A_387] {strides = array<i32>} : memref<2x200x128xf32, #tpu.memory_space<vmem>>, vector<16xf32>,
      tpu.vector_store %arg7[%parallel_loop3A_385, %parallel_loop3A_386, %parallel_loop3A_387], %parallel_loop3A_383 {strides = array<i32>} : memref<2x200x128xf32, #tpu.memory_space<vmem>>, vector<16xf32>,
    } {sc.loop_unroll_factor = 2 : i64, sc.parallel_access}
    %add3A_96 = arith.constant 128 : i32
    %add3A_97 = arith.addi %mul3A_2, %add3A_96 : i32
    %dma_start3A_98 = arith.constant 1 : i32
    %dma_start3A_99 = arith.constant 0 : i32
    %dma_start3A_100 = arith.constant 0 : i32
    %dma_start3A_101 = tpu.memref_slice %arg7[%dma_start3A_98, %dma_start3A_99, %dma_start3A_100] : memref<2x200x128xf32, #tpu.memory_space<vmem>> -> memref<1x200x128xf32, #tpu.memory_space<vmem>>
    %dma_start3A_102 = tpu.memref_squeeze %dma_start3A_101 : memref<1x200x128xf32, #tpu.memory_space<vmem>> -> memref<200x128xf32, #tpu.memory_space<vmem>>
    %dma_start3A_103 = arith.constant 0 : i32
    %dma_start3A_104 = tpu.memref_slice %arg4[%dma_start3A_103, %add3A_97] : memref<200x16384xf32, #tpu.memory_space<hbm>> -> memref<200x128xf32, #tpu.memory_space<hbm>>
    %dma_start3A_105 = arith.constant 0 : i32
    %dma_start3A_106 = tpu.memref_slice %arg4[%dma_start3A_105, %add3A_97] : memref<200x16384xf32, #tpu.memory_space<hbm>> -> memref<200x128xf32, #tpu.memory_space<hbm>>
    %dma_start3A_107 = arith.constant 0 : i32
    %dma_start3A_108 = arith.constant 0 : i32
    %dma_start3A_109 = tpu.memref_slice %arg7[%dma_start3A_98, %dma_start3A_107, %dma_start3A_108] : memref<2x200x128xf32, #tpu.memory_space<vmem>> -> memref<1x200x128xf32, #tpu.memory_space<vmem>>
    %dma_start3A_110 = tpu.memref_squeeze %dma_start3A_109 : memref<1x200x128xf32, #tpu.memory_space<vmem>> -> memref<200x128xf32, #tpu.memory_space<vmem>>
    tpu.enqueue_dma source(%dma_start3A_110 : memref<200x128xf32, #tpu.memory_space<vmem>>) target(%dma_start3A_106 : memref<200x128xf32, #tpu.memory_space<hbm>>) target_semaphore(%arg11 : memref<!tpu.dma_semaphore, #tpu.memory_space<semaphore_mem>>)
    %add3A_111 = arith.constant 384 : i32
    %add3A_112 = arith.addi %mul3A_2, %add3A_111 : i32
    %dma_start3A_113 = arith.constant 1 : i32
    %dma_start3A_114 = arith.constant 0 : i32
    %dma_start3A_115 = arith.constant 0 : i32
    %dma_start3A_116 = tpu.memref_slice %arg6[%dma_start3A_113, %dma_start3A_114, %dma_start3A_115] : memref<2x200x128xi32, #tpu.memory_space<vmem>> -> memref<1x200x128xi32, #tpu.memory_space<vmem>>
    %dma_start3A_117 = tpu.memref_squeeze %dma_start3A_116 : memref<1x200x128xi32, #tpu.memory_space<vmem>> -> memref<200x128xi32, #tpu.memory_space<vmem>>
    %dma_start3A_118 = arith.constant 0 : i32
    %dma_start3A_119 = tpu.memref_slice %arg3[%dma_start3A_118, %add3A_112] : memref<200x16384xi32, #tpu.memory_space<hbm>> -> memref<200x128xi32, #tpu.memory_space<hbm>>
    %dma_start3A_120 = arith.constant 0 : i32
    %dma_start3A_121 = arith.constant 0 : i32
    %dma_start3A_122 = tpu.memref_slice %arg6[%dma_start3A_113, %dma_start3A_120, %dma_start3A_121] : memref<2x200x128xi32, #tpu.memory_space<vmem>> -> memref<1x200x128xi32, #tpu.memory_space<vmem>>
    %dma_start3A_123 = tpu.memref_squeeze %dma_start3A_122 : memref<1x200x128xi32, #tpu.memory_space<vmem>> -> memref<200x128xi32, #tpu.memory_space<vmem>>
    %dma_start3A_124 = arith.constant 0 : i32
    %dma_start3A_125 = tpu.memref_slice %arg3[%dma_start3A_124, %add3A_112] : memref<200x16384xi32, #tpu.memory_space<hbm>> -> memref<200x128xi32, #tpu.memory_space<hbm>>
    tpu.enqueue_dma source(%dma_start3A_125 : memref<200x128xi32, #tpu.memory_space<hbm>>) target(%dma_start3A_123 : memref<200x128xi32, #tpu.memory_space<vmem>>) target_semaphore(%arg9 : memref<!tpu.dma_semaphore, #tpu.memory_space<semaphore_mem>>)
    %add3A_126 = arith.constant 256 : i32
    %add3A_127 = arith.addi %mul3A_2, %add3A_126 : i32
    %dma_wait3A_128 = arith.constant 0 : i32
    %dma_wait3A_129 = arith.constant 0 : i32
    %dma_wait3A_130 = arith.constant 0 : i32
    %dma_wait3A_131 = tpu.memref_slice %arg6[%dma_wait3A_128, %dma_wait3A_129, %dma_wait3A_130] : memref<2x200x128xi32, #tpu.memory_space<vmem>> -> memref<1x200x128xi32, #tpu.memory_space<vmem>>
    %dma_wait3A_132 = tpu.memref_squeeze %dma_wait3A_131 : memref<1x200x128xi32, #tpu.memory_space<vmem>> -> memref<200x128xi32, #tpu.memory_space<vmem>>
    %dma_wait3A_133 = arith.constant 0 : i32
    %dma_wait3A_134 = tpu.memref_slice %arg3[%dma_wait3A_133, %add3A_127] : memref<200x16384xi32, #tpu.memory_space<hbm>> -> memref<200x128xi32, #tpu.memory_space<hbm>>
    %dma_wait3A_135 = arith.constant 0 : i32
    %dma_wait3A_136 = arith.constant 0 : i32
    %dma_wait3A_137 = tpu.memref_slice %arg6[%dma_wait3A_128, %dma_wait3A_135, %dma_wait3A_136] : memref<2x200x128xi32, #tpu.memory_space<vmem>> -> memref<1x200x128xi32, #tpu.memory_space<vmem>>
    %dma_wait3A_138 = tpu.memref_squeeze %dma_wait3A_137 : memref<1x200x128xi32, #tpu.memory_space<vmem>> -> memref<200x128xi32, #tpu.memory_space<vmem>>
    %dma_wait3A_139 = arith.constant 0 : i32
    %dma_wait3A_140 = tpu.memref_slice %arg3[%dma_wait3A_139, %add3A_127] : memref<200x16384xi32, #tpu.memory_space<hbm>> -> memref<200x128xi32, #tpu.memory_space<hbm>>
    tpu.wait_dma2 semaphore(%arg8 : memref<!tpu.dma_semaphore, #tpu.memory_space<semaphore_mem>>) src(%dma_wait3A_140 : memref<200x128xi32, #tpu.memory_space<hbm>>) dst(%dma_wait3A_138 : memref<200x128xi32, #tpu.memory_space<vmem>>)
    %add3A_141 = arith.constant 0 : i32
    %add3A_142 = arith.addi %mul3A_2, %add3A_141 : i32
    %dma_wait3A_143 = arith.constant 0 : i32
    %dma_wait3A_144 = arith.constant 0 : i32
    %dma_wait3A_145 = arith.constant 0 : i32
    %dma_wait3A_146 = tpu.memref_slice %arg7[%dma_wait3A_143, %dma_wait3A_144, %dma_wait3A_145] : memref<2x200x128xf32, #tpu.memory_space<vmem>> -> memref<1x200x128xf32, #tpu.memory_space<vmem>>
    %dma_wait3A_147 = tpu.memref_squeeze %dma_wait3A_146 : memref<1x200x128xf32, #tpu.memory_space<vmem>> -> memref<200x128xf32, #tpu.memory_space<vmem>>
    %dma_wait3A_148 = arith.constant 0 : i32
    %dma_wait3A_149 = tpu.memref_slice %arg4[%dma_wait3A_148, %add3A_142] : memref<200x16384xf32, #tpu.memory_space<hbm>> -> memref<200x128xf32, #tpu.memory_space<hbm>>
    %dma_wait3A_150 = arith.constant 0 : i32
    %dma_wait3A_151 = tpu.memref_slice %arg4[%dma_wait3A_150, %add3A_142] : memref<200x16384xf32, #tpu.memory_space<hbm>> -> memref<200x128xf32, #tpu.memory_space<hbm>>
    %dma_wait3A_152 = arith.constant 0 : i32
    %dma_wait3A_153 = arith.constant 0 : i32
    %dma_wait3A_154 = tpu.memref_slice %arg7[%dma_wait3A_143, %dma_wait3A_152, %dma_wait3A_153] : memref<2x200x128xf32, #tpu.memory_space<vmem>> -> memref<1x200x128xf32, #tpu.memory_space<vmem>>
    %dma_wait3A_155 = tpu.memref_squeeze %dma_wait3A_154 : memref<1x200x128xf32, #tpu.memory_space<vmem>> -> memref<200x128xf32, #tpu.memory_space<vmem>>
    tpu.wait_dma2 semaphore(%arg10 : memref<!tpu.dma_semaphore, #tpu.memory_space<semaphore_mem>>) src(%dma_wait3A_155 : memref<200x128xf32, #tpu.memory_space<vmem>>) dst(%dma_wait3A_151 : memref<200x128xf32, #tpu.memory_space<hbm>>)
    %parallel_loop3A_156 = arith.constant 0 : i32
    %parallel_loop3A_157 = arith.constant 200 : i32
    %parallel_loop3A_158 = arith.constant 1 : i32
    scf.for %parallel_loop3A_252 = %parallel_loop3A_156 to %parallel_loop3A_157 step %parallel_loop3A_158  : i32 {
      %parallel_loop3A_253 = arith.constant 0 : i32
      %parallel_loop3A_254 = arith.index_cast %parallel_loop3A_253 : i32 to index
      %parallel_loop3A_255 = arith.index_cast %parallel_loop3A_252 : i32 to index
      %parallel_loop3A_256 = arith.constant 0 : index
      %parallel_loop3A_257 = tpu.vector_load %arg6[%parallel_loop3A_254, %parallel_loop3A_255, %parallel_loop3A_256] {strides = array<i32>} : memref<2x200x128xi32, #tpu.memory_space<vmem>>, vector<16xi32>,
      %parallel_loop3A_258 = arith.constant 128 : i32
      %parallel_loop3A_259 = vector.broadcast %parallel_loop3A_258 : i32 to vector<16xi32>
      %parallel_loop3A_260 = arith.addi %parallel_loop3A_257, %parallel_loop3A_259 : vector<16xi32>
      %parallel_loop3A_261 = arith.constant 255 : i32
      %parallel_loop3A_262 = vector.broadcast %parallel_loop3A_261 : i32 to vector<16xi32>
      %parallel_loop3A_263 = arith.andi %parallel_loop3A_260, %parallel_loop3A_262 : vector<16xi32>
      %parallel_loop3A_264 = tpu.vector_load_idx %arg5[%parallel_loop3A_263] : memref<256xf32, #tpu.memory_space<vmem>>[vector<16xi32>], vector<16xf32>,
      %parallel_loop3A_265 = arith.constant 0 : i32
      %parallel_loop3A_266 = arith.index_cast %parallel_loop3A_265 : i32 to index
      %parallel_loop3A_267 = arith.index_cast %parallel_loop3A_252 : i32 to index
      %parallel_loop3A_268 = arith.constant 0 : index
      %parallel_loop3A_269 = tpu.vector_load %arg7[%parallel_loop3A_266, %parallel_loop3A_267, %parallel_loop3A_268] {strides = array<i32>} : memref<2x200x128xf32, #tpu.memory_space<vmem>>, vector<16xf32>,
      tpu.vector_store %arg7[%parallel_loop3A_266, %parallel_loop3A_267, %parallel_loop3A_268], %parallel_loop3A_264 {strides = array<i32>} : memref<2x200x128xf32, #tpu.memory_space<vmem>>, vector<16xf32>,
      %parallel_loop3A_270 = arith.constant 0 : i32
      %parallel_loop3A_271 = arith.index_cast %parallel_loop3A_270 : i32 to index
      %parallel_loop3A_272 = arith.index_cast %parallel_loop3A_252 : i32 to index
      %parallel_loop3A_273 = arith.constant 16 : index
      %parallel_loop3A_274 = tpu.vector_load %arg6[%parallel_loop3A_271, %parallel_loop3A_272, %parallel_loop3A_273] {strides = array<i32>} : memref<2x200x128xi32, #tpu.memory_space<vmem>>, vector<16xi32>,
      %parallel_loop3A_275 = arith.constant 128 : i32
      %parallel_loop3A_276 = vector.broadcast %parallel_loop3A_275 : i32 to vector<16xi32>
      %parallel_loop3A_277 = arith.addi %parallel_loop3A_274, %parallel_loop3A_276 : vector<16xi32>
      %parallel_loop3A_278 = arith.constant 255 : i32
      %parallel_loop3A_279 = vector.broadcast %parallel_loop3A_278 : i32 to vector<16xi32>
      %parallel_loop3A_280 = arith.andi %parallel_loop3A_277, %parallel_loop3A_279 : vector<16xi32>
      %parallel_loop3A_281 = tpu.vector_load_idx %arg5[%parallel_loop3A_280] : memref<256xf32, #tpu.memory_space<vmem>>[vector<16xi32>], vector<16xf32>,
      %parallel_loop3A_282 = arith.constant 0 : i32
      %parallel_loop3A_283 = arith.index_cast %parallel_loop3A_282 : i32 to index
      %parallel_loop3A_284 = arith.index_cast %parallel_loop3A_252 : i32 to index
      %parallel_loop3A_285 = arith.constant 16 : index
      %parallel_loop3A_286 = tpu.vector_load %arg7[%parallel_loop3A_283, %parallel_loop3A_284, %parallel_loop3A_285] {strides = array<i32>} : memref<2x200x128xf32, #tpu.memory_space<vmem>>, vector<16xf32>,
      tpu.vector_store %arg7[%parallel_loop3A_283, %parallel_loop3A_284, %parallel_loop3A_285], %parallel_loop3A_281 {strides = array<i32>} : memref<2x200x128xf32, #tpu.memory_space<vmem>>, vector<16xf32>,
      %parallel_loop3A_287 = arith.constant 0 : i32
      %parallel_loop3A_288 = arith.index_cast %parallel_loop3A_287 : i32 to index
      %parallel_loop3A_289 = arith.index_cast %parallel_loop3A_252 : i32 to index
      %parallel_loop3A_290 = arith.constant 32 : index
      %parallel_loop3A_291 = tpu.vector_load %arg6[%parallel_loop3A_288, %parallel_loop3A_289, %parallel_loop3A_290] {strides = array<i32>} : memref<2x200x128xi32, #tpu.memory_space<vmem>>, vector<16xi32>,
      %parallel_loop3A_292 = arith.constant 128 : i32
      %parallel_loop3A_293 = vector.broadcast %parallel_loop3A_292 : i32 to vector<16xi32>
      %parallel_loop3A_294 = arith.addi %parallel_loop3A_291, %parallel_loop3A_293 : vector<16xi32>
      %parallel_loop3A_295 = arith.constant 255 : i32
      %parallel_loop3A_296 = vector.broadcast %parallel_loop3A_295 : i32 to vector<16xi32>
      %parallel_loop3A_297 = arith.andi %parallel_loop3A_294, %parallel_loop3A_296 : vector<16xi32>
      %parallel_loop3A_298 = tpu.vector_load_idx %arg5[%parallel_loop3A_297] : memref<256xf32, #tpu.memory_space<vmem>>[vector<16xi32>], vector<16xf32>,
      %parallel_loop3A_299 = arith.constant 0 : i32
      %parallel_loop3A_300 = arith.index_cast %parallel_loop3A_299 : i32 to index
      %parallel_loop3A_301 = arith.index_cast %parallel_loop3A_252 : i32 to index
      %parallel_loop3A_302 = arith.constant 32 : index
      %parallel_loop3A_303 = tpu.vector_load %arg7[%parallel_loop3A_300, %parallel_loop3A_301, %parallel_loop3A_302] {strides = array<i32>} : memref<2x200x128xf32, #tpu.memory_space<vmem>>, vector<16xf32>,
      tpu.vector_store %arg7[%parallel_loop3A_300, %parallel_loop3A_301, %parallel_loop3A_302], %parallel_loop3A_298 {strides = array<i32>} : memref<2x200x128xf32, #tpu.memory_space<vmem>>, vector<16xf32>,
      %parallel_loop3A_304 = arith.constant 0 : i32
      %parallel_loop3A_305 = arith.index_cast %parallel_loop3A_304 : i32 to index
      %parallel_loop3A_306 = arith.index_cast %parallel_loop3A_252 : i32 to index
      %parallel_loop3A_307 = arith.constant 48 : index
      %parallel_loop3A_308 = tpu.vector_load %arg6[%parallel_loop3A_305, %parallel_loop3A_306, %parallel_loop3A_307] {strides = array<i32>} : memref<2x200x128xi32, #tpu.memory_space<vmem>>, vector<16xi32>,
      %parallel_loop3A_309 = arith.constant 128 : i32
      %parallel_loop3A_310 = vector.broadcast %parallel_loop3A_309 : i32 to vector<16xi32>
      %parallel_loop3A_311 = arith.addi %parallel_loop3A_308, %parallel_loop3A_310 : vector<16xi32>
      %parallel_loop3A_312 = arith.constant 255 : i32
      %parallel_loop3A_313 = vector.broadcast %parallel_loop3A_312 : i32 to vector<16xi32>
      %parallel_loop3A_314 = arith.andi %parallel_loop3A_311, %parallel_loop3A_313 : vector<16xi32>
      %parallel_loop3A_315 = tpu.vector_load_idx %arg5[%parallel_loop3A_314] : memref<256xf32, #tpu.memory_space<vmem>>[vector<16xi32>], vector<16xf32>,
      %parallel_loop3A_316 = arith.constant 0 : i32
      %parallel_loop3A_317 = arith.index_cast %parallel_loop3A_316 : i32 to index
      %parallel_loop3A_318 = arith.index_cast %parallel_loop3A_252 : i32 to index
      %parallel_loop3A_319 = arith.constant 48 : index
      %parallel_loop3A_320 = tpu.vector_load %arg7[%parallel_loop3A_317, %parallel_loop3A_318, %parallel_loop3A_319] {strides = array<i32>} : memref<2x200x128xf32, #tpu.memory_space<vmem>>, vector<16xf32>,
      tpu.vector_store %arg7[%parallel_loop3A_317, %parallel_loop3A_318, %parallel_loop3A_319], %parallel_loop3A_315 {strides = array<i32>} : memref<2x200x128xf32, #tpu.memory_space<vmem>>, vector<16xf32>,
      %parallel_loop3A_321 = arith.constant 0 : i32
      %parallel_loop3A_322 = arith.index_cast %parallel_loop3A_321 : i32 to index
      %parallel_loop3A_323 = arith.index_cast %parallel_loop3A_252 : i32 to index
      %parallel_loop3A_324 = arith.constant 64 : index
      %parallel_loop3A_325 = tpu.vector_load %arg6[%parallel_loop3A_322, %parallel_loop3A_323, %parallel_loop3A_324] {strides = array<i32>} : memref<2x200x128xi32, #tpu.memory_space<vmem>>, vector<16xi32>,
      %parallel_loop3A_326 = arith.constant 128 : i32
      %parallel_loop3A_327 = vector.broadcast %parallel_loop3A_326 : i32 to vector<16xi32>
      %parallel_loop3A_328 = arith.addi %parallel_loop3A_325, %parallel_loop3A_327 : vector<16xi32>
      %parallel_loop3A_329 = arith.constant 255 : i32
      %parallel_loop3A_330 = vector.broadcast %parallel_loop3A_329 : i32 to vector<16xi32>
      %parallel_loop3A_331 = arith.andi %parallel_loop3A_328, %parallel_loop3A_330 : vector<16xi32>
      %parallel_loop3A_332 = tpu.vector_load_idx %arg5[%parallel_loop3A_331] : memref<256xf32, #tpu.memory_space<vmem>>[vector<16xi32>], vector<16xf32>,
      %parallel_loop3A_333 = arith.constant 0 : i32
      %parallel_loop3A_334 = arith.index_cast %parallel_loop3A_333 : i32 to index
      %parallel_loop3A_335 = arith.index_cast %parallel_loop3A_252 : i32 to index
      %parallel_loop3A_336 = arith.constant 64 : index
      %parallel_loop3A_337 = tpu.vector_load %arg7[%parallel_loop3A_334, %parallel_loop3A_335, %parallel_loop3A_336] {strides = array<i32>} : memref<2x200x128xf32, #tpu.memory_space<vmem>>, vector<16xf32>,
      tpu.vector_store %arg7[%parallel_loop3A_334, %parallel_loop3A_335, %parallel_loop3A_336], %parallel_loop3A_332 {strides = array<i32>} : memref<2x200x128xf32, #tpu.memory_space<vmem>>, vector<16xf32>,
      %parallel_loop3A_338 = arith.constant 0 : i32
      %parallel_loop3A_339 = arith.index_cast %parallel_loop3A_338 : i32 to index
      %parallel_loop3A_340 = arith.index_cast %parallel_loop3A_252 : i32 to index
      %parallel_loop3A_341 = arith.constant 80 : index
      %parallel_loop3A_342 = tpu.vector_load %arg6[%parallel_loop3A_339, %parallel_loop3A_340, %parallel_loop3A_341] {strides = array<i32>} : memref<2x200x128xi32, #tpu.memory_space<vmem>>, vector<16xi32>,
      %parallel_loop3A_343 = arith.constant 128 : i32
      %parallel_loop3A_344 = vector.broadcast %parallel_loop3A_343 : i32 to vector<16xi32>
      %parallel_loop3A_345 = arith.addi %parallel_loop3A_342, %parallel_loop3A_344 : vector<16xi32>
      %parallel_loop3A_346 = arith.constant 255 : i32
      %parallel_loop3A_347 = vector.broadcast %parallel_loop3A_346 : i32 to vector<16xi32>
      %parallel_loop3A_348 = arith.andi %parallel_loop3A_345, %parallel_loop3A_347 : vector<16xi32>
      %parallel_loop3A_349 = tpu.vector_load_idx %arg5[%parallel_loop3A_348] : memref<256xf32, #tpu.memory_space<vmem>>[vector<16xi32>], vector<16xf32>,
      %parallel_loop3A_350 = arith.constant 0 : i32
      %parallel_loop3A_351 = arith.index_cast %parallel_loop3A_350 : i32 to index
      %parallel_loop3A_352 = arith.index_cast %parallel_loop3A_252 : i32 to index
      %parallel_loop3A_353 = arith.constant 80 : index
      %parallel_loop3A_354 = tpu.vector_load %arg7[%parallel_loop3A_351, %parallel_loop3A_352, %parallel_loop3A_353] {strides = array<i32>} : memref<2x200x128xf32, #tpu.memory_space<vmem>>, vector<16xf32>,
      tpu.vector_store %arg7[%parallel_loop3A_351, %parallel_loop3A_352, %parallel_loop3A_353], %parallel_loop3A_349 {strides = array<i32>} : memref<2x200x128xf32, #tpu.memory_space<vmem>>, vector<16xf32>,
      %parallel_loop3A_355 = arith.constant 0 : i32
      %parallel_loop3A_356 = arith.index_cast %parallel_loop3A_355 : i32 to index
      %parallel_loop3A_357 = arith.index_cast %parallel_loop3A_252 : i32 to index
      %parallel_loop3A_358 = arith.constant 96 : index
      %parallel_loop3A_359 = tpu.vector_load %arg6[%parallel_loop3A_356, %parallel_loop3A_357, %parallel_loop3A_358] {strides = array<i32>} : memref<2x200x128xi32, #tpu.memory_space<vmem>>, vector<16xi32>,
      %parallel_loop3A_360 = arith.constant 128 : i32
      %parallel_loop3A_361 = vector.broadcast %parallel_loop3A_360 : i32 to vector<16xi32>
      %parallel_loop3A_362 = arith.addi %parallel_loop3A_359, %parallel_loop3A_361 : vector<16xi32>
      %parallel_loop3A_363 = arith.constant 255 : i32
      %parallel_loop3A_364 = vector.broadcast %parallel_loop3A_363 : i32 to vector<16xi32>
      %parallel_loop3A_365 = arith.andi %parallel_loop3A_362, %parallel_loop3A_364 : vector<16xi32>
      %parallel_loop3A_366 = tpu.vector_load_idx %arg5[%parallel_loop3A_365] : memref<256xf32, #tpu.memory_space<vmem>>[vector<16xi32>], vector<16xf32>,
      %parallel_loop3A_367 = arith.constant 0 : i32
      %parallel_loop3A_368 = arith.index_cast %parallel_loop3A_367 : i32 to index
      %parallel_loop3A_369 = arith.index_cast %parallel_loop3A_252 : i32 to index
      %parallel_loop3A_370 = arith.constant 96 : index
      %parallel_loop3A_371 = tpu.vector_load %arg7[%parallel_loop3A_368, %parallel_loop3A_369, %parallel_loop3A_370] {strides = array<i32>} : memref<2x200x128xf32, #tpu.memory_space<vmem>>, vector<16xf32>,
      tpu.vector_store %arg7[%parallel_loop3A_368, %parallel_loop3A_369, %parallel_loop3A_370], %parallel_loop3A_366 {strides = array<i32>} : memref<2x200x128xf32, #tpu.memory_space<vmem>>, vector<16xf32>,
      %parallel_loop3A_372 = arith.constant 0 : i32
      %parallel_loop3A_373 = arith.index_cast %parallel_loop3A_372 : i32 to index
      %parallel_loop3A_374 = arith.index_cast %parallel_loop3A_252 : i32 to index
      %parallel_loop3A_375 = arith.constant 112 : index
      %parallel_loop3A_376 = tpu.vector_load %arg6[%parallel_loop3A_373, %parallel_loop3A_374, %parallel_loop3A_375] {strides = array<i32>} : memref<2x200x128xi32, #tpu.memory_space<vmem>>, vector<16xi32>,
      %parallel_loop3A_377 = arith.constant 128 : i32
      %parallel_loop3A_378 = vector.broadcast %parallel_loop3A_377 : i32 to vector<16xi32>
      %parallel_loop3A_379 = arith.addi %parallel_loop3A_376, %parallel_loop3A_378 : vector<16xi32>
      %parallel_loop3A_380 = arith.constant 255 : i32
      %parallel_loop3A_381 = vector.broadcast %parallel_loop3A_380 : i32 to vector<16xi32>
      %parallel_loop3A_382 = arith.andi %parallel_loop3A_379, %parallel_loop3A_381 : vector<16xi32>
      %parallel_loop3A_383 = tpu.vector_load_idx %arg5[%parallel_loop3A_382] : memref<256xf32, #tpu.memory_space<vmem>>[vector<16xi32>], vector<16xf32>,
      %parallel_loop3A_384 = arith.constant 0 : i32
      %parallel_loop3A_385 = arith.index_cast %parallel_loop3A_384 : i32 to index
      %parallel_loop3A_386 = arith.index_cast %parallel_loop3A_252 : i32 to index
      %parallel_loop3A_387 = arith.constant 112 : index
      %parallel_loop3A_388 = tpu.vector_load %arg7[%parallel_loop3A_385, %parallel_loop3A_386, %parallel_loop3A_387] {strides = array<i32>} : memref<2x200x128xf32, #tpu.memory_space<vmem>>, vector<16xf32>,
      tpu.vector_store %arg7[%parallel_loop3A_385, %parallel_loop3A_386, %parallel_loop3A_387], %parallel_loop3A_383 {strides = array<i32>} : memref<2x200x128xf32, #tpu.memory_space<vmem>>, vector<16xf32>,
    } {sc.loop_unroll_factor = 2 : i64, sc.parallel_access}
    %add3A_159 = arith.constant 256 : i32
    %add3A_160 = arith.addi %mul3A_2, %add3A_159 : i32
    %dma_start3A_161 = arith.constant 0 : i32
    %dma_start3A_162 = arith.constant 0 : i32
    %dma_start3A_163 = arith.constant 0 : i32
    %dma_start3A_164 = tpu.memref_slice %arg7[%dma_start3A_161, %dma_start3A_162, %dma_start3A_163] : memref<2x200x128xf32, #tpu.memory_space<vmem>> -> memref<1x200x128xf32, #tpu.memory_space<vmem>>
    %dma_start3A_165 = tpu.memref_squeeze %dma_start3A_164 : memref<1x200x128xf32, #tpu.memory_space<vmem>> -> memref<200x128xf32, #tpu.memory_space<vmem>>
    %dma_start3A_166 = arith.constant 0 : i32
    %dma_start3A_167 = tpu.memref_slice %arg4[%dma_start3A_166, %add3A_160] : memref<200x16384xf32, #tpu.memory_space<hbm>> -> memref<200x128xf32, #tpu.memory_space<hbm>>
    %dma_start3A_168 = arith.constant 0 : i32
    %dma_start3A_169 = tpu.memref_slice %arg4[%dma_start3A_168, %add3A_160] : memref<200x16384xf32, #tpu.memory_space<hbm>> -> memref<200x128xf32, #tpu.memory_space<hbm>>
    %dma_start3A_170 = arith.constant 0 : i32
    %dma_start3A_171 = arith.constant 0 : i32
    %dma_start3A_172 = tpu.memref_slice %arg7[%dma_start3A_161, %dma_start3A_170, %dma_start3A_171] : memref<2x200x128xf32, #tpu.memory_space<vmem>> -> memref<1x200x128xf32, #tpu.memory_space<vmem>>
    %dma_start3A_173 = tpu.memref_squeeze %dma_start3A_172 : memref<1x200x128xf32, #tpu.memory_space<vmem>> -> memref<200x128xf32, #tpu.memory_space<vmem>>
    tpu.enqueue_dma source(%dma_start3A_173 : memref<200x128xf32, #tpu.memory_space<vmem>>) target(%dma_start3A_169 : memref<200x128xf32, #tpu.memory_space<hbm>>) target_semaphore(%arg10 : memref<!tpu.dma_semaphore, #tpu.memory_space<semaphore_mem>>)
    %add3A_174 = arith.constant 384 : i32
    %add3A_175 = arith.addi %mul3A_2, %add3A_174 : i32
    %dma_wait3A_176 = arith.constant 1 : i32
    %dma_wait3A_177 = arith.constant 0 : i32
    %dma_wait3A_178 = arith.constant 0 : i32
    %dma_wait3A_179 = tpu.memref_slice %arg6[%dma_wait3A_176, %dma_wait3A_177, %dma_wait3A_178] : memref<2x200x128xi32, #tpu.memory_space<vmem>> -> memref<1x200x128xi32, #tpu.memory_space<vmem>>
    %dma_wait3A_180 = tpu.memref_squeeze %dma_wait3A_179 : memref<1x200x128xi32, #tpu.memory_space<vmem>> -> memref<200x128xi32, #tpu.memory_space<vmem>>
    %dma_wait3A_181 = arith.constant 0 : i32
    %dma_wait3A_182 = tpu.memref_slice %arg3[%dma_wait3A_181, %add3A_175] : memref<200x16384xi32, #tpu.memory_space<hbm>> -> memref<200x128xi32, #tpu.memory_space<hbm>>
    %dma_wait3A_183 = arith.constant 0 : i32
    %dma_wait3A_184 = arith.constant 0 : i32
    %dma_wait3A_185 = tpu.memref_slice %arg6[%dma_wait3A_176, %dma_wait3A_183, %dma_wait3A_184] : memref<2x200x128xi32, #tpu.memory_space<vmem>> -> memref<1x200x128xi32, #tpu.memory_space<vmem>>
    %dma_wait3A_186 = tpu.memref_squeeze %dma_wait3A_185 : memref<1x200x128xi32, #tpu.memory_space<vmem>> -> memref<200x128xi32, #tpu.memory_space<vmem>>
    %dma_wait3A_187 = arith.constant 0 : i32
    %dma_wait3A_188 = tpu.memref_slice %arg3[%dma_wait3A_187, %add3A_175] : memref<200x16384xi32, #tpu.memory_space<hbm>> -> memref<200x128xi32, #tpu.memory_space<hbm>>
    tpu.wait_dma2 semaphore(%arg9 : memref<!tpu.dma_semaphore, #tpu.memory_space<semaphore_mem>>) src(%dma_wait3A_188 : memref<200x128xi32, #tpu.memory_space<hbm>>) dst(%dma_wait3A_186 : memref<200x128xi32, #tpu.memory_space<vmem>>)
    %add3A_189 = arith.constant 128 : i32
    %add3A_190 = arith.addi %mul3A_2, %add3A_189 : i32
    %dma_wait3A_191 = arith.constant 1 : i32
    %dma_wait3A_192 = arith.constant 0 : i32
    %dma_wait3A_193 = arith.constant 0 : i32
    %dma_wait3A_194 = tpu.memref_slice %arg7[%dma_wait3A_191, %dma_wait3A_192, %dma_wait3A_193] : memref<2x200x128xf32, #tpu.memory_space<vmem>> -> memref<1x200x128xf32, #tpu.memory_space<vmem>>
    %dma_wait3A_195 = tpu.memref_squeeze %dma_wait3A_194 : memref<1x200x128xf32, #tpu.memory_space<vmem>> -> memref<200x128xf32, #tpu.memory_space<vmem>>
    %dma_wait3A_196 = arith.constant 0 : i32
    %dma_wait3A_197 = tpu.memref_slice %arg4[%dma_wait3A_196, %add3A_190] : memref<200x16384xf32, #tpu.memory_space<hbm>> -> memref<200x128xf32, #tpu.memory_space<hbm>>
    %dma_wait3A_198 = arith.constant 0 : i32
    %dma_wait3A_199 = tpu.memref_slice %arg4[%dma_wait3A_198, %add3A_190] : memref<200x16384xf32, #tpu.memory_space<hbm>> -> memref<200x128xf32, #tpu.memory_space<hbm>>
    %dma_wait3A_200 = arith.constant 0 : i32
    %dma_wait3A_201 = arith.constant 0 : i32
    %dma_wait3A_202 = tpu.memref_slice %arg7[%dma_wait3A_191, %dma_wait3A_200, %dma_wait3A_201] : memref<2x200x128xf32, #tpu.memory_space<vmem>> -> memref<1x200x128xf32, #tpu.memory_space<vmem>>
    %dma_wait3A_203 = tpu.memref_squeeze %dma_wait3A_202 : memref<1x200x128xf32, #tpu.memory_space<vmem>> -> memref<200x128xf32, #tpu.memory_space<vmem>>
    tpu.wait_dma2 semaphore(%arg11 : memref<!tpu.dma_semaphore, #tpu.memory_space<semaphore_mem>>) src(%dma_wait3A_203 : memref<200x128xf32, #tpu.memory_space<vmem>>) dst(%dma_wait3A_199 : memref<200x128xf32, #tpu.memory_space<hbm>>)
    %parallel_loop3A_204 = arith.constant 0 : i32
    %parallel_loop3A_205 = arith.constant 200 : i32
    %parallel_loop3A_206 = arith.constant 1 : i32
    scf.for %parallel_loop3A_252 = %parallel_loop3A_204 to %parallel_loop3A_205 step %parallel_loop3A_206  : i32 {
      %parallel_loop3A_253 = arith.constant 1 : i32
      %parallel_loop3A_254 = arith.index_cast %parallel_loop3A_253 : i32 to index
      %parallel_loop3A_255 = arith.index_cast %parallel_loop3A_252 : i32 to index
      %parallel_loop3A_256 = arith.constant 0 : index
      %parallel_loop3A_257 = tpu.vector_load %arg6[%parallel_loop3A_254, %parallel_loop3A_255, %parallel_loop3A_256] {strides = array<i32>} : memref<2x200x128xi32, #tpu.memory_space<vmem>>, vector<16xi32>,
      %parallel_loop3A_258 = arith.constant 128 : i32
      %parallel_loop3A_259 = vector.broadcast %parallel_loop3A_258 : i32 to vector<16xi32>
      %parallel_loop3A_260 = arith.addi %parallel_loop3A_257, %parallel_loop3A_259 : vector<16xi32>
      %parallel_loop3A_261 = arith.constant 255 : i32
      %parallel_loop3A_262 = vector.broadcast %parallel_loop3A_261 : i32 to vector<16xi32>
      %parallel_loop3A_263 = arith.andi %parallel_loop3A_260, %parallel_loop3A_262 : vector<16xi32>
      %parallel_loop3A_264 = tpu.vector_load_idx %arg5[%parallel_loop3A_263] : memref<256xf32, #tpu.memory_space<vmem>>[vector<16xi32>], vector<16xf32>,
      %parallel_loop3A_265 = arith.constant 1 : i32
      %parallel_loop3A_266 = arith.index_cast %parallel_loop3A_265 : i32 to index
      %parallel_loop3A_267 = arith.index_cast %parallel_loop3A_252 : i32 to index
      %parallel_loop3A_268 = arith.constant 0 : index
      %parallel_loop3A_269 = tpu.vector_load %arg7[%parallel_loop3A_266, %parallel_loop3A_267, %parallel_loop3A_268] {strides = array<i32>} : memref<2x200x128xf32, #tpu.memory_space<vmem>>, vector<16xf32>,
      tpu.vector_store %arg7[%parallel_loop3A_266, %parallel_loop3A_267, %parallel_loop3A_268], %parallel_loop3A_264 {strides = array<i32>} : memref<2x200x128xf32, #tpu.memory_space<vmem>>, vector<16xf32>,
      %parallel_loop3A_270 = arith.constant 1 : i32
      %parallel_loop3A_271 = arith.index_cast %parallel_loop3A_270 : i32 to index
      %parallel_loop3A_272 = arith.index_cast %parallel_loop3A_252 : i32 to index
      %parallel_loop3A_273 = arith.constant 16 : index
      %parallel_loop3A_274 = tpu.vector_load %arg6[%parallel_loop3A_271, %parallel_loop3A_272, %parallel_loop3A_273] {strides = array<i32>} : memref<2x200x128xi32, #tpu.memory_space<vmem>>, vector<16xi32>,
      %parallel_loop3A_275 = arith.constant 128 : i32
      %parallel_loop3A_276 = vector.broadcast %parallel_loop3A_275 : i32 to vector<16xi32>
      %parallel_loop3A_277 = arith.addi %parallel_loop3A_274, %parallel_loop3A_276 : vector<16xi32>
      %parallel_loop3A_278 = arith.constant 255 : i32
      %parallel_loop3A_279 = vector.broadcast %parallel_loop3A_278 : i32 to vector<16xi32>
      %parallel_loop3A_280 = arith.andi %parallel_loop3A_277, %parallel_loop3A_279 : vector<16xi32>
      %parallel_loop3A_281 = tpu.vector_load_idx %arg5[%parallel_loop3A_280] : memref<256xf32, #tpu.memory_space<vmem>>[vector<16xi32>], vector<16xf32>,
      %parallel_loop3A_282 = arith.constant 1 : i32
      %parallel_loop3A_283 = arith.index_cast %parallel_loop3A_282 : i32 to index
      %parallel_loop3A_284 = arith.index_cast %parallel_loop3A_252 : i32 to index
      %parallel_loop3A_285 = arith.constant 16 : index
      %parallel_loop3A_286 = tpu.vector_load %arg7[%parallel_loop3A_283, %parallel_loop3A_284, %parallel_loop3A_285] {strides = array<i32>} : memref<2x200x128xf32, #tpu.memory_space<vmem>>, vector<16xf32>,
      tpu.vector_store %arg7[%parallel_loop3A_283, %parallel_loop3A_284, %parallel_loop3A_285], %parallel_loop3A_281 {strides = array<i32>} : memref<2x200x128xf32, #tpu.memory_space<vmem>>, vector<16xf32>,
      %parallel_loop3A_287 = arith.constant 1 : i32
      %parallel_loop3A_288 = arith.index_cast %parallel_loop3A_287 : i32 to index
      %parallel_loop3A_289 = arith.index_cast %parallel_loop3A_252 : i32 to index
      %parallel_loop3A_290 = arith.constant 32 : index
      %parallel_loop3A_291 = tpu.vector_load %arg6[%parallel_loop3A_288, %parallel_loop3A_289, %parallel_loop3A_290] {strides = array<i32>} : memref<2x200x128xi32, #tpu.memory_space<vmem>>, vector<16xi32>,
      %parallel_loop3A_292 = arith.constant 128 : i32
      %parallel_loop3A_293 = vector.broadcast %parallel_loop3A_292 : i32 to vector<16xi32>
      %parallel_loop3A_294 = arith.addi %parallel_loop3A_291, %parallel_loop3A_293 : vector<16xi32>
      %parallel_loop3A_295 = arith.constant 255 : i32
      %parallel_loop3A_296 = vector.broadcast %parallel_loop3A_295 : i32 to vector<16xi32>
      %parallel_loop3A_297 = arith.andi %parallel_loop3A_294, %parallel_loop3A_296 : vector<16xi32>
      %parallel_loop3A_298 = tpu.vector_load_idx %arg5[%parallel_loop3A_297] : memref<256xf32, #tpu.memory_space<vmem>>[vector<16xi32>], vector<16xf32>,
      %parallel_loop3A_299 = arith.constant 1 : i32
      %parallel_loop3A_300 = arith.index_cast %parallel_loop3A_299 : i32 to index
      %parallel_loop3A_301 = arith.index_cast %parallel_loop3A_252 : i32 to index
      %parallel_loop3A_302 = arith.constant 32 : index
      %parallel_loop3A_303 = tpu.vector_load %arg7[%parallel_loop3A_300, %parallel_loop3A_301, %parallel_loop3A_302] {strides = array<i32>} : memref<2x200x128xf32, #tpu.memory_space<vmem>>, vector<16xf32>,
      tpu.vector_store %arg7[%parallel_loop3A_300, %parallel_loop3A_301, %parallel_loop3A_302], %parallel_loop3A_298 {strides = array<i32>} : memref<2x200x128xf32, #tpu.memory_space<vmem>>, vector<16xf32>,
      %parallel_loop3A_304 = arith.constant 1 : i32
      %parallel_loop3A_305 = arith.index_cast %parallel_loop3A_304 : i32 to index
      %parallel_loop3A_306 = arith.index_cast %parallel_loop3A_252 : i32 to index
      %parallel_loop3A_307 = arith.constant 48 : index
      %parallel_loop3A_308 = tpu.vector_load %arg6[%parallel_loop3A_305, %parallel_loop3A_306, %parallel_loop3A_307] {strides = array<i32>} : memref<2x200x128xi32, #tpu.memory_space<vmem>>, vector<16xi32>,
      %parallel_loop3A_309 = arith.constant 128 : i32
      %parallel_loop3A_310 = vector.broadcast %parallel_loop3A_309 : i32 to vector<16xi32>
      %parallel_loop3A_311 = arith.addi %parallel_loop3A_308, %parallel_loop3A_310 : vector<16xi32>
      %parallel_loop3A_312 = arith.constant 255 : i32
      %parallel_loop3A_313 = vector.broadcast %parallel_loop3A_312 : i32 to vector<16xi32>
      %parallel_loop3A_314 = arith.andi %parallel_loop3A_311, %parallel_loop3A_313 : vector<16xi32>
      %parallel_loop3A_315 = tpu.vector_load_idx %arg5[%parallel_loop3A_314] : memref<256xf32, #tpu.memory_space<vmem>>[vector<16xi32>], vector<16xf32>,
      %parallel_loop3A_316 = arith.constant 1 : i32
      %parallel_loop3A_317 = arith.index_cast %parallel_loop3A_316 : i32 to index
      %parallel_loop3A_318 = arith.index_cast %parallel_loop3A_252 : i32 to index
      %parallel_loop3A_319 = arith.constant 48 : index
      %parallel_loop3A_320 = tpu.vector_load %arg7[%parallel_loop3A_317, %parallel_loop3A_318, %parallel_loop3A_319] {strides = array<i32>} : memref<2x200x128xf32, #tpu.memory_space<vmem>>, vector<16xf32>,
      tpu.vector_store %arg7[%parallel_loop3A_317, %parallel_loop3A_318, %parallel_loop3A_319], %parallel_loop3A_315 {strides = array<i32>} : memref<2x200x128xf32, #tpu.memory_space<vmem>>, vector<16xf32>,
      %parallel_loop3A_321 = arith.constant 1 : i32
      %parallel_loop3A_322 = arith.index_cast %parallel_loop3A_321 : i32 to index
      %parallel_loop3A_323 = arith.index_cast %parallel_loop3A_252 : i32 to index
      %parallel_loop3A_324 = arith.constant 64 : index
      %parallel_loop3A_325 = tpu.vector_load %arg6[%parallel_loop3A_322, %parallel_loop3A_323, %parallel_loop3A_324] {strides = array<i32>} : memref<2x200x128xi32, #tpu.memory_space<vmem>>, vector<16xi32>,
      %parallel_loop3A_326 = arith.constant 128 : i32
      %parallel_loop3A_327 = vector.broadcast %parallel_loop3A_326 : i32 to vector<16xi32>
      %parallel_loop3A_328 = arith.addi %parallel_loop3A_325, %parallel_loop3A_327 : vector<16xi32>
      %parallel_loop3A_329 = arith.constant 255 : i32
      %parallel_loop3A_330 = vector.broadcast %parallel_loop3A_329 : i32 to vector<16xi32>
      %parallel_loop3A_331 = arith.andi %parallel_loop3A_328, %parallel_loop3A_330 : vector<16xi32>
      %parallel_loop3A_332 = tpu.vector_load_idx %arg5[%parallel_loop3A_331] : memref<256xf32, #tpu.memory_space<vmem>>[vector<16xi32>], vector<16xf32>,
      %parallel_loop3A_333 = arith.constant 1 : i32
      %parallel_loop3A_334 = arith.index_cast %parallel_loop3A_333 : i32 to index
      %parallel_loop3A_335 = arith.index_cast %parallel_loop3A_252 : i32 to index
      %parallel_loop3A_336 = arith.constant 64 : index
      %parallel_loop3A_337 = tpu.vector_load %arg7[%parallel_loop3A_334, %parallel_loop3A_335, %parallel_loop3A_336] {strides = array<i32>} : memref<2x200x128xf32, #tpu.memory_space<vmem>>, vector<16xf32>,
      tpu.vector_store %arg7[%parallel_loop3A_334, %parallel_loop3A_335, %parallel_loop3A_336], %parallel_loop3A_332 {strides = array<i32>} : memref<2x200x128xf32, #tpu.memory_space<vmem>>, vector<16xf32>,
      %parallel_loop3A_338 = arith.constant 1 : i32
      %parallel_loop3A_339 = arith.index_cast %parallel_loop3A_338 : i32 to index
      %parallel_loop3A_340 = arith.index_cast %parallel_loop3A_252 : i32 to index
      %parallel_loop3A_341 = arith.constant 80 : index
      %parallel_loop3A_342 = tpu.vector_load %arg6[%parallel_loop3A_339, %parallel_loop3A_340, %parallel_loop3A_341] {strides = array<i32>} : memref<2x200x128xi32, #tpu.memory_space<vmem>>, vector<16xi32>,
      %parallel_loop3A_343 = arith.constant 128 : i32
      %parallel_loop3A_344 = vector.broadcast %parallel_loop3A_343 : i32 to vector<16xi32>
      %parallel_loop3A_345 = arith.addi %parallel_loop3A_342, %parallel_loop3A_344 : vector<16xi32>
      %parallel_loop3A_346 = arith.constant 255 : i32
      %parallel_loop3A_347 = vector.broadcast %parallel_loop3A_346 : i32 to vector<16xi32>
      %parallel_loop3A_348 = arith.andi %parallel_loop3A_345, %parallel_loop3A_347 : vector<16xi32>
      %parallel_loop3A_349 = tpu.vector_load_idx %arg5[%parallel_loop3A_348] : memref<256xf32, #tpu.memory_space<vmem>>[vector<16xi32>], vector<16xf32>,
      %parallel_loop3A_350 = arith.constant 1 : i32
      %parallel_loop3A_351 = arith.index_cast %parallel_loop3A_350 : i32 to index
      %parallel_loop3A_352 = arith.index_cast %parallel_loop3A_252 : i32 to index
      %parallel_loop3A_353 = arith.constant 80 : index
      %parallel_loop3A_354 = tpu.vector_load %arg7[%parallel_loop3A_351, %parallel_loop3A_352, %parallel_loop3A_353] {strides = array<i32>} : memref<2x200x128xf32, #tpu.memory_space<vmem>>, vector<16xf32>,
      tpu.vector_store %arg7[%parallel_loop3A_351, %parallel_loop3A_352, %parallel_loop3A_353], %parallel_loop3A_349 {strides = array<i32>} : memref<2x200x128xf32, #tpu.memory_space<vmem>>, vector<16xf32>,
      %parallel_loop3A_355 = arith.constant 1 : i32
      %parallel_loop3A_356 = arith.index_cast %parallel_loop3A_355 : i32 to index
      %parallel_loop3A_357 = arith.index_cast %parallel_loop3A_252 : i32 to index
      %parallel_loop3A_358 = arith.constant 96 : index
      %parallel_loop3A_359 = tpu.vector_load %arg6[%parallel_loop3A_356, %parallel_loop3A_357, %parallel_loop3A_358] {strides = array<i32>} : memref<2x200x128xi32, #tpu.memory_space<vmem>>, vector<16xi32>,
      %parallel_loop3A_360 = arith.constant 128 : i32
      %parallel_loop3A_361 = vector.broadcast %parallel_loop3A_360 : i32 to vector<16xi32>
      %parallel_loop3A_362 = arith.addi %parallel_loop3A_359, %parallel_loop3A_361 : vector<16xi32>
      %parallel_loop3A_363 = arith.constant 255 : i32
      %parallel_loop3A_364 = vector.broadcast %parallel_loop3A_363 : i32 to vector<16xi32>
      %parallel_loop3A_365 = arith.andi %parallel_loop3A_362, %parallel_loop3A_364 : vector<16xi32>
      %parallel_loop3A_366 = tpu.vector_load_idx %arg5[%parallel_loop3A_365] : memref<256xf32, #tpu.memory_space<vmem>>[vector<16xi32>], vector<16xf32>,
      %parallel_loop3A_367 = arith.constant 1 : i32
      %parallel_loop3A_368 = arith.index_cast %parallel_loop3A_367 : i32 to index
      %parallel_loop3A_369 = arith.index_cast %parallel_loop3A_252 : i32 to index
      %parallel_loop3A_370 = arith.constant 96 : index
      %parallel_loop3A_371 = tpu.vector_load %arg7[%parallel_loop3A_368, %parallel_loop3A_369, %parallel_loop3A_370] {strides = array<i32>} : memref<2x200x128xf32, #tpu.memory_space<vmem>>, vector<16xf32>,
      tpu.vector_store %arg7[%parallel_loop3A_368, %parallel_loop3A_369, %parallel_loop3A_370], %parallel_loop3A_366 {strides = array<i32>} : memref<2x200x128xf32, #tpu.memory_space<vmem>>, vector<16xf32>,
      %parallel_loop3A_372 = arith.constant 1 : i32
      %parallel_loop3A_373 = arith.index_cast %parallel_loop3A_372 : i32 to index
      %parallel_loop3A_374 = arith.index_cast %parallel_loop3A_252 : i32 to index
      %parallel_loop3A_375 = arith.constant 112 : index
      %parallel_loop3A_376 = tpu.vector_load %arg6[%parallel_loop3A_373, %parallel_loop3A_374, %parallel_loop3A_375] {strides = array<i32>} : memref<2x200x128xi32, #tpu.memory_space<vmem>>, vector<16xi32>,
      %parallel_loop3A_377 = arith.constant 128 : i32
      %parallel_loop3A_378 = vector.broadcast %parallel_loop3A_377 : i32 to vector<16xi32>
      %parallel_loop3A_379 = arith.addi %parallel_loop3A_376, %parallel_loop3A_378 : vector<16xi32>
      %parallel_loop3A_380 = arith.constant 255 : i32
      %parallel_loop3A_381 = vector.broadcast %parallel_loop3A_380 : i32 to vector<16xi32>
      %parallel_loop3A_382 = arith.andi %parallel_loop3A_379, %parallel_loop3A_381 : vector<16xi32>
      %parallel_loop3A_383 = tpu.vector_load_idx %arg5[%parallel_loop3A_382] : memref<256xf32, #tpu.memory_space<vmem>>[vector<16xi32>], vector<16xf32>,
      %parallel_loop3A_384 = arith.constant 1 : i32
      %parallel_loop3A_385 = arith.index_cast %parallel_loop3A_384 : i32 to index
      %parallel_loop3A_386 = arith.index_cast %parallel_loop3A_252 : i32 to index
      %parallel_loop3A_387 = arith.constant 112 : index
      %parallel_loop3A_388 = tpu.vector_load %arg7[%parallel_loop3A_385, %parallel_loop3A_386, %parallel_loop3A_387] {strides = array<i32>} : memref<2x200x128xf32, #tpu.memory_space<vmem>>, vector<16xf32>,
      tpu.vector_store %arg7[%parallel_loop3A_385, %parallel_loop3A_386, %parallel_loop3A_387], %parallel_loop3A_383 {strides = array<i32>} : memref<2x200x128xf32, #tpu.memory_space<vmem>>, vector<16xf32>,
    } {sc.loop_unroll_factor = 2 : i64, sc.parallel_access}
    %add3A_207 = arith.constant 384 : i32
    %add3A_208 = arith.addi %mul3A_2, %add3A_207 : i32
    %dma_start3A_209 = arith.constant 1 : i32
    %dma_start3A_210 = arith.constant 0 : i32
    %dma_start3A_211 = arith.constant 0 : i32
    %dma_start3A_212 = tpu.memref_slice %arg7[%dma_start3A_209, %dma_start3A_210, %dma_start3A_211] : memref<2x200x128xf32, #tpu.memory_space<vmem>> -> memref<1x200x128xf32, #tpu.memory_space<vmem>>
    %dma_start3A_213 = tpu.memref_squeeze %dma_start3A_212 : memref<1x200x128xf32, #tpu.memory_space<vmem>> -> memref<200x128xf32, #tpu.memory_space<vmem>>
    %dma_start3A_214 = arith.constant 0 : i32
    %dma_start3A_215 = tpu.memref_slice %arg4[%dma_start3A_214, %add3A_208] : memref<200x16384xf32, #tpu.memory_space<hbm>> -> memref<200x128xf32, #tpu.memory_space<hbm>>
    %dma_start3A_216 = arith.constant 0 : i32
    %dma_start3A_217 = tpu.memref_slice %arg4[%dma_start3A_216, %add3A_208] : memref<200x16384xf32, #tpu.memory_space<hbm>> -> memref<200x128xf32, #tpu.memory_space<hbm>>
    %dma_start3A_218 = arith.constant 0 : i32
    %dma_start3A_219 = arith.constant 0 : i32
    %dma_start3A_220 = tpu.memref_slice %arg7[%dma_start3A_209, %dma_start3A_218, %dma_start3A_219] : memref<2x200x128xf32, #tpu.memory_space<vmem>> -> memref<1x200x128xf32, #tpu.memory_space<vmem>>
    %dma_start3A_221 = tpu.memref_squeeze %dma_start3A_220 : memref<1x200x128xf32, #tpu.memory_space<vmem>> -> memref<200x128xf32, #tpu.memory_space<vmem>>
    tpu.enqueue_dma source(%dma_start3A_221 : memref<200x128xf32, #tpu.memory_space<vmem>>) target(%dma_start3A_217 : memref<200x128xf32, #tpu.memory_space<hbm>>) target_semaphore(%arg11 : memref<!tpu.dma_semaphore, #tpu.memory_space<semaphore_mem>>)
    %add3A_222 = arith.constant 256 : i32
    %add3A_223 = arith.addi %mul3A_2, %add3A_222 : i32
    %dma_wait3A_224 = arith.constant 0 : i32
    %dma_wait3A_225 = arith.constant 0 : i32
    %dma_wait3A_226 = arith.constant 0 : i32
    %dma_wait3A_227 = tpu.memref_slice %arg7[%dma_wait3A_224, %dma_wait3A_225, %dma_wait3A_226] : memref<2x200x128xf32, #tpu.memory_space<vmem>> -> memref<1x200x128xf32, #tpu.memory_space<vmem>>
    %dma_wait3A_228 = tpu.memref_squeeze %dma_wait3A_227 : memref<1x200x128xf32, #tpu.memory_space<vmem>> -> memref<200x128xf32, #tpu.memory_space<vmem>>
    %dma_wait3A_229 = arith.constant 0 : i32
    %dma_wait3A_230 = tpu.memref_slice %arg4[%dma_wait3A_229, %add3A_223] : memref<200x16384xf32, #tpu.memory_space<hbm>> -> memref<200x128xf32, #tpu.memory_space<hbm>>
    %dma_wait3A_231 = arith.constant 0 : i32
    %dma_wait3A_232 = tpu.memref_slice %arg4[%dma_wait3A_231, %add3A_223] : memref<200x16384xf32, #tpu.memory_space<hbm>> -> memref<200x128xf32, #tpu.memory_space<hbm>>
    %dma_wait3A_233 = arith.constant 0 : i32
    %dma_wait3A_234 = arith.constant 0 : i32
    %dma_wait3A_235 = tpu.memref_slice %arg7[%dma_wait3A_224, %dma_wait3A_233, %dma_wait3A_234] : memref<2x200x128xf32, #tpu.memory_space<vmem>> -> memref<1x200x128xf32, #tpu.memory_space<vmem>>
    %dma_wait3A_236 = tpu.memref_squeeze %dma_wait3A_235 : memref<1x200x128xf32, #tpu.memory_space<vmem>> -> memref<200x128xf32, #tpu.memory_space<vmem>>
    tpu.wait_dma2 semaphore(%arg10 : memref<!tpu.dma_semaphore, #tpu.memory_space<semaphore_mem>>) src(%dma_wait3A_236 : memref<200x128xf32, #tpu.memory_space<vmem>>) dst(%dma_wait3A_232 : memref<200x128xf32, #tpu.memory_space<hbm>>)
    %add3A_237 = arith.constant 384 : i32
    %add3A_238 = arith.addi %mul3A_2, %add3A_237 : i32
    %dma_wait3A_239 = arith.constant 1 : i32
    %dma_wait3A_240 = arith.constant 0 : i32
    %dma_wait3A_241 = arith.constant 0 : i32
    %dma_wait3A_242 = tpu.memref_slice %arg7[%dma_wait3A_239, %dma_wait3A_240, %dma_wait3A_241] : memref<2x200x128xf32, #tpu.memory_space<vmem>> -> memref<1x200x128xf32, #tpu.memory_space<vmem>>
    %dma_wait3A_243 = tpu.memref_squeeze %dma_wait3A_242 : memref<1x200x128xf32, #tpu.memory_space<vmem>> -> memref<200x128xf32, #tpu.memory_space<vmem>>
    %dma_wait3A_244 = arith.constant 0 : i32
    %dma_wait3A_245 = tpu.memref_slice %arg4[%dma_wait3A_244, %add3A_238] : memref<200x16384xf32, #tpu.memory_space<hbm>> -> memref<200x128xf32, #tpu.memory_space<hbm>>
    %dma_wait3A_246 = arith.constant 0 : i32
    %dma_wait3A_247 = tpu.memref_slice %arg4[%dma_wait3A_246, %add3A_238] : memref<200x16384xf32, #tpu.memory_space<hbm>> -> memref<200x128xf32, #tpu.memory_space<hbm>>
    %dma_wait3A_248 = arith.constant 0 : i32
    %dma_wait3A_249 = arith.constant 0 : i32
    %dma_wait3A_250 = tpu.memref_slice %arg7[%dma_wait3A_239, %dma_wait3A_248, %dma_wait3A_249] : memref<2x200x128xf32, #tpu.memory_space<vmem>> -> memref<1x200x128xf32, #tpu.memory_space<vmem>>
    %dma_wait3A_251 = tpu.memref_squeeze %dma_wait3A_250 : memref<1x200x128xf32, #tpu.memory_space<vmem>> -> memref<200x128xf32, #tpu.memory_space<vmem>>
    tpu.wait_dma2 semaphore(%arg11 : memref<!tpu.dma_semaphore, #tpu.memory_space<semaphore_mem>>) src(%dma_wait3A_251 : memref<200x128xf32, #tpu.memory_space<vmem>>) dst(%dma_wait3A_247 : memref<200x128xf32, #tpu.memory_space<hbm>>)
    return
  }
}

</mosaic_0001>

<sc_bundles>
// kernel: _lut.3.cloned.1.call-start
scs
__scs_entry_jumppad:
0x0: {  	(pc) =	sbr.rel $0x88, $3  }
0x1: {  	(tag) =	ssettag $0x0;
	lr =	simm.s32 $0x1  }
0x2: {  	[smem:$0x3F9F] =	sst lr;
	_ =	strace $0xD0000000  }
0x3: {  	_ = 	snop  }
0x4: {  	_ = 	snop  }
0x5: {  	_ = 	snop  }
0x6: {  	_ = 	snop  }
0x7: {  	_ = 	snop  }
__scs_overlays_trampoline_lowered:
0x8: {  	[smem:$0x3FAE] =	sst s0  }
0x9: {  	[smem:$0x3FAF] =	sst s1  }
0xa: {  	[smem:$0x3FB0] =	sst s2  }
0xb: {  	[smem:$0x3FB1] =	sst s3  }
0xc: {  	[smem:$0x3FB2] =	sst s4  }
0xd: {  	[smem:$0x3FB3] =	sst s5  }
0xe: {  	[smem:$0x3FB4] =	sst s6  }
0xf: {  	[smem:$0x3FB5] =	sst s7  }
0x10: {  	[smem:$0x3FB6] =	sst s8  }
0x11: {  	[smem:$0x3FB7] =	sst s9;
	s0 =	simm.s32 @!p0 $0x0  }
0x12: {  	s1 =	sld [smem:$0x3F9D];
	s0 =	simm.s32 @p0 $0x1  }
0x13: {  	[smem:$0x3FB8] =	sst s0;
	s0 =	simm.s32 @!p1 $0x0  }
0x14: {  	s2 =	sld [smem:$0x3F9C];
	s0 =	simm.s32 @p1 $0x1  }
0x15: {  	[smem:$0x3FB9] =	sst s0;
	s0 =	simm.s32 @!p2 $0x0  }
0x16: {  	s3 =	sld [smem:$0x3FDB];
	s0 =	simm.s32 @p2 $0x1  }
0x17: {  	s4 =	simm.s32 $0x1BF5;
	[smem:$0x3FBB] =	sst s0  }
0x18: {  	s0 =	sld [smem:$0x3F9E];
	_ =	swait.ge [sflag:s4], $0x0  }
0x19: {  	s7 =	sld [smem:$0x3F9F]  }
0x1a: {  	s8 =	sadd.s32 $0xFFFFE003, lr  }
0x1b: {  	s9 =	sadd.s32 $0xFFFFFEF7, lr;
	s5 =	simm.s32 $0xFFFFFFFF;
	p2 =	slt.u32 s8, $0xFFFFF086  }
0x1c: {  	p1 =	slt.u32 s9, $0xF7A;
	s5 =	simm.s32 @!p2 $0x0  }
0x1d: {  	s5 =	simm.s32 @p1 $0x1;
	p0 =	seq.s32 s7, s2  }
0x1e: {  	s7 =	smul.u32 @!p0 $0xF7A, s2;
	p2 =	seq.s32 @!p0 s5, $0x0  }
0x1f: {  	s9 =	smul.u32 $0xF7A, s1;
	s8 =	simm.s32 @!p0 $0x1BF5;
	p2 =	por !p2, p0  }
0x20: {  	[sflag:s8] =	ssyncset.s32 @!p0 $0xFFFFF086;
	s6 =	sadd.s32 @!p0 s3, s7;
	s7 =	simm.s32 @!p0 $0x108  }
0x21: {  	s3 =	sadd.s32 s3, s9;
	s6 =	sadd.s32 @!p0 $0x88, s6;
	s7 =	simm.s32 @p2 $0x1082  }
0x22: {  	[simem:s7], [sflag:s8] =	dma.local @!p0 [hbm:s6], $0xF7A  }
0x23: {  	s9 =	sor.u32 $0xD0000000, s2;
	s6 =	simm.s32 $0x108;
	_ =	swait.ge @!p0 [sflag:s8], $0x0  }
0x24: {  	s3 =	sadd.s32 $0x88, s3;
	s6 =	simm.s32 @!p1 $0x1082;
	[sflag:s4] =	ssyncset.s32 $0xFFFFF086  }
0x25: {  	[simem:s6], [sflag:s4] =	dma.local [hbm:s3], $0xF7A  }
0x26: {  	[smem:$0x3F9F] =	sst s1;
	(tag) =	ssettag s2;
	_ =	strace s9  }
0x27: {  	s1 =	sld [smem:$0x3FAF]  }
0x28: {  	s2 =	sld [smem:$0x3FB0]  }
0x29: {  	s4 =	sld [smem:$0x3FB2]  }
0x2a: {  	p0 =	seq.s32 s5, $0x0;
	s5 =	sld [smem:$0x3FB3]  }
0x2b: {  	s6 =	sld [smem:$0x3FB4]  }
0x2c: {  	s7 =	sld [smem:$0x3FB5]  }
0x2d: {  	s3 =	simm.s32 $0x108;
	s8 =	sld [smem:$0x3FB6]  }
0x2e: {  	s3 =	simm.s32 @!p0 $0x1082;
	s9 =	sld [smem:$0x3FB7]  }
0x2f: {  	lr =	sadd.s32 s0, s3;
	s0 =	sld [smem:$0x3FAE]  }
0x30: {  	s3 =	sld [smem:$0x3FB1]  }
0x31: {  	[smem:$0x3FBA] =	sst s10  }
0x32: {  	s10 =	sld [smem:$0x3FB8];
	_ =	sdelay $0x3  }
0x33: {  	p0 =	seq.s32 s10, $0x1;
	s10 =	sld [smem:$0x3FBA];
	_ =	sdelay $0x3  }
0x34: {  	[smem:$0x3FBA] =	sst s10  }
0x35: {  	s10 =	sld [smem:$0x3FB9];
	_ =	sdelay $0x3  }
0x36: {  	p1 =	seq.s32 s10, $0x1;
	s10 =	sld [smem:$0x3FBA];
	_ =	sdelay $0x3  }
0x37: {  	[smem:$0x3FBA] =	sst s10  }
0x38: {  	s10 =	sld [smem:$0x3FBB]  }
0x39: {  	_ = 	snop;
	(pc) =	sbr.ind lr, $3  }
0x3a: {  	_ = 	snop  }
0x3b: {  	_ = 	snop  }
0x3c: {  	p2 =	seq.s32 s10, $0x1;
	s10 =	sld [smem:$0x3FBA]  }
0x3d: {  	_ =	shalt  }
0x3e: {  	_ =	shalt  }
0x3f: {  	_ =	shalt  }
0x40: {  	_ =	shalt  }
0x41: {  	_ =	shalt  }
0x42: {  	_ =	shalt  }
0x43: {  	_ =	shalt  }
0x44: {  	_ =	shalt  }
0x45: {  	_ =	shalt  }
0x46: {  	_ =	shalt  }
0x47: {  	_ =	shalt  }
0x48: {  	_ =	shalt  }
0x49: {  	_ =	shalt  }
0x4a: {  	_ =	shalt  }
0x4b: {  	_ =	shalt  }
0x4c: {  	_ =	shalt  }
0x4d: {  	_ =	shalt  }
0x4e: {  	_ =	shalt  }
0x4f: {  	_ =	shalt  }
0x50: {  	_ =	shalt  }
0x51: {  	_ =	shalt  }
0x52: {  	_ =	shalt  }
0x53: {  	_ =	shalt  }
0x54: {  	_ =	shalt  }
0x55: {  	_ =	shalt  }
0x56: {  	_ =	shalt  }
0x57: {  	_ =	shalt  }
0x58: {  	_ =	shalt  }
0x59: {  	_ =	shalt  }
0x5a: {  	_ =	shalt  }
0x5b: {  	_ =	shalt  }
0x5c: {  	_ =	shalt  }
0x5d: {  	_ =	shalt  }
0x5e: {  	_ =	shalt  }
0x5f: {  	_ =	shalt  }
0x60: {  	_ =	shalt  }
0x61: {  	_ =	shalt  }
0x62: {  	_ =	shalt  }
0x63: {  	_ =	shalt  }
0x64: {  	_ =	shalt  }
0x65: {  	_ =	shalt  }
0x66: {  	_ =	shalt  }
0x67: {  	_ =	shalt  }
0x68: {  	_ =	shalt  }
0x69: {  	_ =	shalt  }
0x6a: {  	_ =	shalt  }
0x6b: {  	_ =	shalt  }
0x6c: {  	_ =	shalt  }
0x6d: {  	_ =	shalt  }
0x6e: {  	_ =	shalt  }
0x6f: {  	_ =	shalt  }
0x70: {  	_ =	shalt  }
0x71: {  	_ =	shalt  }
0x72: {  	_ =	shalt  }
0x73: {  	_ =	shalt  }
0x74: {  	_ =	shalt  }
0x75: {  	_ =	shalt  }
0x76: {  	_ =	shalt  }
0x77: {  	_ =	shalt  }
0x78: {  	_ =	shalt  }
0x79: {  	_ =	shalt  }
0x7a: {  	_ =	shalt  }
0x7b: {  	_ =	shalt  }
0x7c: {  	_ =	shalt  }
0x7d: {  	_ =	shalt  }
0x7e: {  	_ =	shalt  }
0x7f: {  	_ =	shalt  }
0x80: {  	_ =	shalt  }
0x81: {  	_ =	shalt  }
0x82: {  	_ =	shalt  }
0x83: {  	_ =	shalt  }
0x84: {  	_ =	shalt  }
0x85: {  	_ =	shalt  }
0x86: {  	_ =	shalt  }
0x87: {  	_ =	shalt  }
.Lfunc_end0:
.L_simem_size_0:
called_computation_lowered:
.L_overlay_start_0:
0x88: {  	s2 =	sld [smem:$0x3FD9]  }
0x89: {  	s3 =	sld [smem:$0x3FFE];
	_ =	sdelay $0x1  }
0x8a: {  	s1 =	srdreg.scid  }
0x8b: {  	s0 =	sand.u32 $0x1, s1  }
0x8c: {  	s18 =	sshll.u32 s0, $0xA;
	s2 =	sadd.s32 s3, s2  }
0x8d: {  	s2 =	sadd.s32 s2, s18  }
0x8e: {  	[smem:$0x3FC6] =	sst s2  }
0x8f: {  	_ = 	snop  }
0x90: {  	s2 =	sld [smem:$0x3FC9]  }
0x91: {  	s19 =	sld [smem:$0x3FC8]  }
0x92: {  	s4 =	sld [smem:$0x3FD0];
	(tm) =	ssettm $0x1  }
0x93: {  	s5 =	sld [smem:$0x3FFB];
	_ =	sdelay $0x3  }
0x94: {  	_ =	strace s5  }
0x95: {  	s5 =	sld [smem:$0x3FFC];
	_ =	sdelay $0x3  }
0x96: {  	_ =	strace s5  }
0x97: {  	s5 =	sld [smem:$0x3FFD];
	_ =	sdelay $0x3  }
0x98: {  	_ =	strace s5  }
0x99: {  	_ =	strace $0x8FFFFFFF  }
0x9a: {  	s20 =	sld [smem:$0x3FDB];
	_ =	sdelay $0x1  }
0x9b: {  	s6 =	simm.s32 $_scs_section_size  }
0x9c: {  	s7 =	simm.s32 $_size__tile_overlayer_lowered;
	s8 =	simm.s32 $_tile_overlayer_lowered  }
0x9d: {  	s23 =	simm.s32 $0x1BFF;
	s22 =	sshll.u32 s8, $0x1;
	s5 =	sadd.s32 s6, s20  }
0x9e: {  	s9 =	simm.s32 $0x0;
	s21 =	sshll.u32 s7, $0x1;
	s7 =	sadd.s32 s22, s5  }
0x9f: {  	[timem:s9], [sflag:s23] =	dma.local [hbm:s7], s21  }
0xa0: {  	_ =	swait.ge [sflag:s23], s21  }
0xa1: {  	s6 =	ssub.s32 $0x0, s21;
	[sflag:s23] =	ssyncset.done $0x0  }
0xa2: {  	[sflag:s23] =	ssyncadd.s32 s6;
	_ =	sdelay $0x1  }
0xa3: {  	s24 =	simm.s32 $0x1B8B  }
0xa4: {  	_ =	swait.ge [sflag:s24], $0x1  }
0xa5: {  	[sflag:s24] =	ssyncset.done $0x0  }
0xa6: {  	s25 =	simm.s32 $0x1B8E;
	[sflag:s24] =	ssyncadd.s32 $0xFFFFFFFF  }
0xa7: {  	s26 =	simm.s32 $execute0_lowered;
	[smem:$0x3FD2] =	sst s25  }
0xa8: {  	s6 =	sshll.u32 s26, $0x1;
	_ =	strace $0x80000046;
	[dreg:$0x1] =	wrdreg $0xFFFFFFFF  }
0xa9: {  	s28 =	simm.s32 $_size_execute0_lowered;
	s5 =	sadd.s32 s5, s6;
	[dreg:$0x0] =	wrdreg $0x0  }
0xaa: {  	s6 =	sshll.u32 s28, $0x1;
	[dreg:$0x2] =	wrdreg s5  }
0xab: {  	[dreg:$0x3] =	wrdreg s6  }
0xac: {  	[dreg:$0x4] =	wrdreg $0xC0  }
0xad: {  	_ =	task [dreg:s9], $0x5FFFF  }
0xae: {  	[dreg:$0x1] =	wrdreg $0xFFFFFFFF  }
0xaf: {  	[dreg:$0x0] =	wrdreg $0x60  }
0xb0: {  	[dreg:$0x2] =	wrdreg s2  }
0xb1: {  	[dreg:$0x3] =	wrdreg s19  }
0xb2: {  	[dreg:$0x4] =	wrdreg s4  }
0xb3: {  	[dreg:$0x5] =	wrdreg $0x9  }
0xb4: {  	_ =	task.clear_ibuf [dreg:s9], $0x6FFFF;
	_ =	strace $0x90000046  }
0xb5: {  	s29 =	simm.s32 $0x9;
	_ =	strace $0x80000048  }
0xb6: {  	_ =	swait.ge [sflag:s29], $0x1  }
0xb7: {  	[sflag:s29] =	ssyncadd.s32 $0xFFFFFFFF  }
0xb8: {  	_ =	strace $0x90000048  }
0xb9: {  	_ =	sfence  }
0xba: {  	s30 =	sld [smem:$0x0];
	_ =	sdelay $0x2  }
0xbb: {  	s31 =	sshll.u32 s1, $0xD;
	s1 =	sshrl.u32 s1, $0x2  }
0xbc: {  	s3 =	sand.u32 $0x4000, s31;
	s1 =	sadd.s32 s1, s30  }
0xbd: {  	s0 =	sor.u32 s3, s0;
	s1 =	sshll.u32 s1, $0x11  }
0xbe: {  	s0 =	sor.u32 s1, s0  }
0xbf: {  	s0 =	sadd.s32 $0x8F2B, s0  }
0xc0: {  	[sflag:s0] =	ssyncadd.remote.s32 $0x1  }
0xc1: {  	_ =	sfence.sel $0xFFFF  }
0xc2: {  	[dreg:$0x0] =	wrdreg $0xFFFFFFFF;
	(pc) =	sbr.abs _section_cstart, $3  }
0xc3: {  	[dreg:$0x1] =	wrdreg $0xFFFFFFFF  }
0xc4: {  	_ =	task.clear_ibuf [dreg:s9], $0x2FFFF;
	_ =	strace $0x9FFFFFFF  }
0xc5: {  	(tm) =	ssettm $0x7FFFFFFF  }
tec
execute0_lowered:
.L_overlay_start_1:
0x0: {  	(tag) =	ssettag $0x1  }
0x1: {  	s0 =	rddreg [dreg:$0x1]  }
0x2: {  	s1 =	rddreg [dreg:$0x2];
	s2 =	srdreg.scid  }
0x3: {  	s4 =	stileid.u32;
	s3 =	simm.s32 $0x0;
	s13 =	simm.s32 $0x5  }
0x4: {  	s14 =	simm.s32 $0x400;
	s15 =	simm.s32 $0x20000;
	s18 =	simm.s32 $0x1  }
0x5: {  	s19 =	simm.s32 $0xC900;
	s20 =	simm.s32 $0x2;
	s21 =	simm.s32 $0x12D00  }
0x6: {  	s22 =	simm.s32 $0x3;
	s23 =	simm.s32 $0x4;
	s2 =	sand.u32 $0x1, s2  }
0x7: {  	s24 =	simm.s32 $0x0;
	s4 =	sshll.u32 s4, $0xA;
	s5 =	sshll.u32 s2, $0x9  }
0x8: {  	[smem:$0x7FF] =	sst s3;
	s2 =	ssub.s32 $0x2, s2;
	s7 =	sor.u32 s5, s4  }
0x9: {  	_ =	strace $0x80000047;
	s31 =	sshrl.u32 s2, $0x1;
	s8 =	sor.u32 $0x80, s7  }
0xa: {  	s2 =	ssub.s32 s2, s31;
	s4 =	sadd.s32 s0, s7;
	s6 =	sadd.s32 s1, s7  }
0xb: {  	s10 =	sor.u32 $0x100, s7;
	s11 =	sor.u32 $0x180, s7;
	s5 =	sadd.s32 s0, s8  }
0xc: {  	s7 =	sadd.s32 s0, s10;
	s8 =	sadd.s32 s1, s8;
	s9 =	sadd.s32 s0, s11  }
0xd: {  	s10 =	sadd.s32 s1, s10;
	s11 =	sadd.s32 s1, s11;
	s12 =	smax.u32 s2, $0x1  }
.LBB2_1:
0xe: {  	s0 =	rddreg [dreg:$0x0]  }
0xf: {  	[tilespmem:s3], [sflag:$0x5] =	stream.linear.gather [hbm4b:s0+s3], $0x100, $0x38;
	[tilespmem:$0x19100] =	vst v63  }
0x10: {  	_ =	swait.ge [sflag:s13], $0x100  }
0x11: {  	[sflag:s13] =	ssyncset.done $0x0  }
0x12: {  	s25 =	simm.s32 $0x100;
	[sflag:s13] =	ssyncadd.s32 $0xFFFFFF00  }
0x13: {  	[tilespmem:s25], [sflag:$0x1] =	stream.strided.gather [hbm4b:s4+s14], $0x6400, s15, s14, $0x38;
	[tilespmem:$0x19100] =	vst v63  }
0x14: {  	s26 =	simm.s32 $0x6500  }
0x15: {  	[tilespmem:s26], [sflag:$0x2] =	stream.strided.gather [hbm4b:s5+s14], $0x6400, s15, s14, $0x38;
	[tilespmem:$0x19100] =	vst v63  }
0x16: {  	_ =	swait.ge [sflag:s18], $0x6400  }
0x17: {  	[sflag:s18] =	ssyncset.done $0x0  }
0x18: {  	s16 =	simm.s32 $0x180;
	[sflag:s18] =	ssyncadd.s32 $0xFFFF9C00  }
0x19: {  	v0 =	vld [tilespmem:s16+$0x0];
	_ =	sdelay $0x2  }
0x1a: {  	v1 =	vld [tilespmem:s16+$0xFFFFFF80];
	_ =	sdelay $0x1  }
0x1b: {  	v0 =	vand.u32 $0xFF, v0  }
0x1c: {  	v0 =	vxor.u32 $0x80, v0;
	_ =	sdelay $0x1  }
0x1d: {  	v1 =	vand.u32 $0xFF, v1  }
0x1e: {  	v1 =	vxor.u32 $0x80, v1;
	_ =	sdelay $0x1  }
0x1f: {  	v0 =	vld.idx.msk [tilespmem:v0+s3+$0x0], $0xffff;
	_ =	sdelay $0x2  }
0x20: {  	v1 =	vld.idx.msk [tilespmem:v1+s3+$0x0], $0xffff  }
0x21: {  	s25 =	simm.s32 $0xC980  }
0x22: {  	[tilespmem:s25+$0x0] =	vst v0  }
0x23: {  	v0 =	vld [tilespmem:s16+$0x10];
	_ =	sdelay $0x1  }
0x24: {  	[tilespmem:s25+$0xFFFFFF80] =	vst v1  }
0x25: {  	v1 =	vld [tilespmem:s16+$0xFFFFFF90];
	_ =	sdelay $0x1  }
0x26: {  	v0 =	vand.u32 $0xFF, v0  }
0x27: {  	v0 =	vxor.u32 $0x80, v0;
	_ =	sdelay $0x1  }
0x28: {  	v1 =	vand.u32 $0xFF, v1  }
0x29: {  	v1 =	vxor.u32 $0x80, v1;
	_ =	sdelay $0x1  }
0x2a: {  	v0 =	vld.idx.msk [tilespmem:v0+s3+$0x0], $0xffff  }
0x2b: {  	s28 =	simm.s32 $0x280  }
0x2c: {  	v3 =	vld [tilespmem:s28+$0xFFFFFF80]  }
0x2d: {  	v1 =	vld.idx.msk [tilespmem:v1+s3+$0x0], $0xffff  }
0x2e: {  	v2 =	vld [tilespmem:s28+$0x0]  }
0x2f: {  	[tilespmem:s25+$0x10] =	vst v0  }
0x30: {  	v0 =	vld [tilespmem:s16+$0x20]  }
0x31: {  	v3 =	vand.u32 $0xFF, v3  }
0x32: {  	v3 =	vxor.u32 $0x80, v3;
	[tilespmem:s25+$0xFFFFFF90] =	vst v1  }
0x33: {  	v1 =	vand.u32 $0xFF, v2;
	v2 =	vld [tilespmem:s16+$0xFFFFFFA0]  }
0x34: {  	v1 =	vxor.u32 $0x80, v1  }
0x35: {  	v0 =	vand.u32 $0xFF, v0  }
0x36: {  	v0 =	vxor.u32 $0x80, v0  }
0x37: {  	v3 =	vld.idx.msk [tilespmem:v3+s3+$0x0], $0xffff  }
0x38: {  	v2 =	vand.u32 $0xFF, v2  }
0x39: {  	v1 =	vld.idx.msk [tilespmem:v1+s3+$0x0], $0xffff;
	v2 =	vxor.u32 $0x80, v2;
	_ =	sdelay $0x1  }
0x3a: {  	s26 =	simm.s32 $0xCA80;
	v0 =	vld.idx.msk [tilespmem:v0+s3+$0x0], $0xffff  }
0x3b: {  	[tilespmem:s26+$0xFFFFFF80] =	vst v3  }
0x3c: {  	v3 =	vld [tilespmem:s28+$0xFFFFFF90]  }
0x3d: {  	[tilespmem:s26+$0x0] =	vst v1;
	v1 =	vld.idx.msk [tilespmem:v2+s3+$0x0], $0xffff  }
0x3e: {  	v2 =	vld [tilespmem:s28+$0x10]  }
0x3f: {  	[tilespmem:s25+$0x20] =	vst v0  }
0x40: {  	v0 =	vld [tilespmem:s16+$0x30]  }
0x41: {  	v3 =	vand.u32 $0xFF, v3  }
0x42: {  	v3 =	vxor.u32 $0x80, v3;
	[tilespmem:s25+$0xFFFFFFA0] =	vst v1  }
0x43: {  	v1 =	vand.u32 $0xFF, v2;
	v2 =	vld [tilespmem:s16+$0xFFFFFFB0]  }
0x44: {  	v1 =	vxor.u32 $0x80, v1  }
0x45: {  	v0 =	vand.u32 $0xFF, v0  }
0x46: {  	v0 =	vxor.u32 $0x80, v0  }
0x47: {  	s30 =	simm.s32 $0x380;
	v3 =	vld.idx.msk [tilespmem:v3+s3+$0x0], $0xffff  }
0x48: {  	v4 =	vld [tilespmem:s30+$0x0];
	v2 =	vand.u32 $0xFF, v2  }
0x49: {  	v1 =	vld.idx.msk [tilespmem:v1+s3+$0x0], $0xffff;
	v2 =	vxor.u32 $0x80, v2;
	_ =	sdelay $0x1  }
0x4a: {  	v0 =	vld.idx.msk [tilespmem:v0+s3+$0x0], $0xffff  }
0x4b: {  	v5 =	vld [tilespmem:s30+$0xFFFFFF80];
	[tilespmem:s26+$0xFFFFFF90] =	vst v3  }
0x4c: {  	v3 =	vand.u32 $0xFF, v4;
	v4 =	vld [tilespmem:s28+$0xFFFFFFA0]  }
0x4d: {  	v3 =	vxor.u32 $0x80, v3;
	[tilespmem:s26+$0x10] =	vst v1;
	v1 =	vld.idx.msk [tilespmem:v2+s3+$0x0], $0xffff  }
0x4e: {  	v2 =	vld [tilespmem:s28+$0x20]  }
0x4f: {  	[tilespmem:s25+$0x30] =	vst v0  }
0x50: {  	v0 =	vand.u32 $0xFF, v5;
	v5 =	vld [tilespmem:s16+$0x40]  }
0x51: {  	v4 =	vand.u32 $0xFF, v4;
	v0 =	vxor.u32 $0x80, v0  }
0x52: {  	v3 =	vld.idx.msk [tilespmem:v3+s3+$0x0], $0xffff;
	v4 =	vxor.u32 $0x80, v4  }
0x53: {  	v2 =	vand.u32 $0xFF, v2  }
0x54: {  	[tilespmem:s25+$0xFFFFFFB0] =	vst v1;
	v1 =	vxor.u32 $0x80, v2  }
0x55: {  	v2 =	vld [tilespmem:s16+$0xFFFFFFC0];
	v5 =	vand.u32 $0xFF, v5  }
0x56: {  	s29 =	simm.s32 $0xCB80;
	v0 =	vld.idx.msk [tilespmem:v0+s3+$0x0], $0xffff;
	v5 =	vxor.u32 $0x80, v5  }
0x57: {  	[tilespmem:s29+$0x0] =	vst v3;
	v3 =	vld.idx.msk [tilespmem:v4+s3+$0x0], $0xffff  }
0x58: {  	v4 =	vld [tilespmem:s30+$0x10]  }
0x59: {  	v1 =	vld.idx.msk [tilespmem:v1+s3+$0x0], $0xffff  }
0x5a: {  	v2 =	vand.u32 $0xFF, v2  }
0x5b: {  	v2 =	vxor.u32 $0x80, v2;
	[tilespmem:s29+$0xFFFFFF80] =	vst v0;
	v0 =	vld.idx.msk [tilespmem:v5+s3+$0x0], $0xffff  }
0x5c: {  	v5 =	vld [tilespmem:s30+$0xFFFFFF90]  }
0x5d: {  	[tilespmem:s26+$0xFFFFFFA0] =	vst v3  }
0x5e: {  	v3 =	vand.u32 $0xFF, v4;
	v4 =	vld [tilespmem:s28+$0xFFFFFFB0];
	[tilespmem:s26+$0x20] =	vst v1  }
0x5f: {  	v1 =	vld [tilespmem:s28+$0x30]  }
0x60: {  	v3 =	vxor.u32 $0x80, v3;
	v2 =	vld.idx.msk [tilespmem:v2+s3+$0x0], $0xffff  }
0x61: {  	v5 =	vand.u32 $0xFF, v5;
	[tilespmem:s25+$0x40] =	vst v0  }
0x62: {  	v0 =	vxor.u32 $0x80, v5;
	v5 =	vld [tilespmem:s16+$0x50];
	_ =	sdelay $0x1  }
0x63: {  	v1 =	vand.u32 $0xFF, v1  }
0x64: {  	v4 =	vand.u32 $0xFF, v4;
	v3 =	vld.idx.msk [tilespmem:v3+s3+$0x0], $0xffff;
	[tilespmem:s25+$0xFFFFFFC0] =	vst v2;
	v1 =	vxor.u32 $0x80, v1  }
0x65: {  	s0 =	simm.s32 $0x480;
	v4 =	vxor.u32 $0x80, v4;
	v2 =	vld [tilespmem:s16+$0xFFFFFFD0]  }
0x66: {  	v6 =	vld [tilespmem:s0+$0x0];
	v5 =	vand.u32 $0xFF, v5  }
0x67: {  	v0 =	vld.idx.msk [tilespmem:v0+s3+$0x0], $0xffff;
	v5 =	vxor.u32 $0x80, v5  }
0x68: {  	v7 =	vld [tilespmem:s0+$0xFFFFFF80]  }
0x69: {  	v1 =	vld.idx.msk [tilespmem:v1+s3+$0x0], $0xffff  }
0x6a: {  	[tilespmem:s29+$0x10] =	vst v3;
	v3 =	vld.idx.msk [tilespmem:v4+s3+$0x0], $0xffff;
	v2 =	vand.u32 $0xFF, v2  }
0x6b: {  	v4 =	vld [tilespmem:s30+$0x20];
	v2 =	vxor.u32 $0x80, v2  }
0x6c: {  	v6 =	vand.u32 $0xFF, v6;
	[tilespmem:s29+$0xFFFFFF90] =	vst v0;
	v0 =	vld.idx.msk [tilespmem:v5+s3+$0x0], $0xffff  }
0x6d: {  	v5 =	vxor.u32 $0x80, v6;
	v6 =	vld [tilespmem:s30+$0xFFFFFFA0]  }
0x6e: {  	[tilespmem:s26+$0x30] =	vst v1  }
0x6f: {  	v1 =	vand.u32 $0xFF, v7;
	v7 =	vld [tilespmem:s28+$0x40]  }
0x70: {  	[tilespmem:s26+$0xFFFFFFB0] =	vst v3;
	v3 =	vand.u32 $0xFF, v4;
	v2 =	vld.idx.msk [tilespmem:v2+s3+$0x0], $0xffff;
	v1 =	vxor.u32 $0x80, v1  }
0x71: {  	v4 =	vld [tilespmem:s28+$0xFFFFFFC0];
	v3 =	vxor.u32 $0x80, v3  }
0x72: {  	v5 =	vld.idx.msk [tilespmem:v5+s3+$0x0], $0xffff;
	v6 =	vand.u32 $0xFF, v6;
	[tilespmem:s25+$0x50] =	vst v0  }
0x73: {  	v0 =	vxor.u32 $0x80, v6;
	v6 =	vld [tilespmem:s16+$0x60]  }
0x74: {  	v7 =	vand.u32 $0xFF, v7  }
0x75: {  	v1 =	vld.idx.msk [tilespmem:v1+s3+$0x0], $0xffff;
	[tilespmem:s25+$0xFFFFFFD0] =	vst v2;
	v2 =	vxor.u32 $0x80, v7  }
0x76: {  	v4 =	vand.u32 $0xFF, v4;
	v3 =	vld.idx.msk [tilespmem:v3+s3+$0x0], $0xffff  }
0x77: {  	s31 =	simm.s32 $0xCC80;
	v4 =	vxor.u32 $0x80, v4;
	v7 =	vld [tilespmem:s16+$0xFFFFFFE0]  }
0x78: {  	[tilespmem:s31+$0x0] =	vst v5;
	v0 =	vld.idx.msk [tilespmem:v0+s3+$0x0], $0xffff;
	v5 =	vand.u32 $0xFF, v6  }
0x79: {  	v6 =	vld [tilespmem:s0+$0x10];
	v5 =	vxor.u32 $0x80, v5  }
0x7a: {  	[tilespmem:s31+$0xFFFFFF80] =	vst v1;
	v1 =	vld.idx.msk [tilespmem:v2+s3+$0x0], $0xffff  }
0x7b: {  	v2 =	vld [tilespmem:s0+$0xFFFFFF90]  }
0x7c: {  	[tilespmem:s29+$0x20] =	vst v3;
	v3 =	vld.idx.msk [tilespmem:v4+s3+$0x0], $0xffff;
	v7 =	vand.u32 $0xFF, v7  }
0x7d: {  	v4 =	vxor.u32 $0x80, v7;
	v7 =	vld [tilespmem:s30+$0x30]  }
0x7e: {  	v6 =	vand.u32 $0xFF, v6;
	[tilespmem:s29+$0xFFFFFFA0] =	vst v0;
	v0 =	vld.idx.msk [tilespmem:v5+s3+$0x0], $0xffff  }
0x7f: {  	v5 =	vxor.u32 $0x80, v6;
	v6 =	vld [tilespmem:s30+$0xFFFFFFB0]  }
0x80: {  	v2 =	vand.u32 $0xFF, v2;
	[tilespmem:s26+$0x40] =	vst v1  }
0x81: {  	v1 =	vxor.u32 $0x80, v2;
	v2 =	vld [tilespmem:s28+$0x50]  }
0x82: {  	s2 =	simm.s32 $0x580  }
0x83: {  	v8 =	vld [tilespmem:s2+$0x0];
	[tilespmem:s26+$0xFFFFFFC0] =	vst v3;
	v7 =	vand.u32 $0xFF, v7  }
0x84: {  	v3 =	vxor.u32 $0x80, v7;
	v7 =	vld [tilespmem:s28+$0xFFFFFFD0];
	v6 =	vand.u32 $0xFF, v6  }
0x85: {  	v5 =	vld.idx.msk [tilespmem:v5+s3+$0x0], $0xffff;
	[tilespmem:s25+$0x60] =	vst v0;
	v0 =	vxor.u32 $0x80, v6  }
0x86: {  	v2 =	vand.u32 $0xFF, v2;
	v6 =	vld [tilespmem:s16+$0x70]  }
0x87: {  	v1 =	vld.idx.msk [tilespmem:v1+s3+$0x0], $0xffff;
	v2 =	vxor.u32 $0x80, v2  }
0x88: {  	v9 =	vld [tilespmem:s2+$0xFFFFFF80]  }
0x89: {  	v3 =	vld.idx.msk [tilespmem:v3+s3+$0x0], $0xffff;
	v7 =	vand.u32 $0xFF, v7  }
0x8a: {  	v7 =	vxor.u32 $0x80, v7;
	[tilespmem:s31+$0x10] =	vst v5;
	v0 =	vld.idx.msk [tilespmem:v0+s3+$0x0], $0xffff  }
0x8b: {  	v8 =	vand.u32 $0xFF, v8;
	v5 =	vand.u32 $0xFF, v6;
	v6 =	vld [tilespmem:s0+$0x20]  }
0x8c: {  	[tilespmem:s31+$0xFFFFFF90] =	vst v1;
	v1 =	vld.idx.msk [tilespmem:v2+s3+$0x0], $0xffff;
	v2 =	vxor.u32 $0x80, v8  }
0x8d: {  	v4 =	vld.idx.msk [tilespmem:v4+s3+$0x0], $0xffff  }
0x8e: {  	v8 =	vld [tilespmem:s0+$0xFFFFFFA0];
	v5 =	vxor.u32 $0x80, v5  }
0x8f: {  	v9 =	vand.u32 $0xFF, v9;
	[tilespmem:s29+$0x30] =	vst v3;
	v3 =	vld.idx.msk [tilespmem:v7+s3+$0x0], $0xffff  }
0x90: {  	v7 =	vxor.u32 $0x80, v9;
	v60 =	vld [tilespmem:s30+$0x40]  }
0x91: {  	v6 =	vand.u32 $0xFF, v6;
	[tilespmem:s29+$0xFFFFFFB0] =	vst v0;
	v2 =	vld.idx.msk [tilespmem:v2+s3+$0x0], $0xffff  }
0x92: {  	v0 =	vxor.u32 $0x80, v6;
	v6 =	vld [tilespmem:s30+$0xFFFFFFC0]  }
0x93: {  	v8 =	vand.u32 $0xFF, v8;
	[tilespmem:s26+$0x50] =	vst v1;
	v5 =	vld.idx.msk [tilespmem:v5+s3+$0x0], $0xffff  }
0x94: {  	v1 =	vxor.u32 $0x80, v8;
	v8 =	vld [tilespmem:s28+$0x60]  }
0x95: {  	v7 =	vld.idx.msk [tilespmem:v7+s3+$0x0], $0xffff;
	v9 =	vand.u32 $0xFF, v60;
	[tilespmem:s26+$0xFFFFFFD0] =	vst v3  }
0x96: {  	v3 =	vxor.u32 $0x80, v9;
	v61 =	vld [tilespmem:s28+$0xFFFFFFE0]  }
0x97: {  	[tilespmem:s25+$0xFFFFFFE0] =	vst v4;
	v0 =	vld.idx.msk [tilespmem:v0+s3+$0x0], $0xffff;
	v4 =	vand.u32 $0xFF, v6  }
0x98: {  	s1 =	simm.s32 $0xCD80;
	v6 =	vld [tilespmem:s16+$0xFFFFFFF0];
	v4 =	vxor.u32 $0x80, v4  }
0x99: {  	[tilespmem:s1+$0x0] =	vst v2;
	v1 =	vld.idx.msk [tilespmem:v1+s3+$0x0], $0xffff;
	v2 =	vand.u32 $0xFF, v8  }
0x9a: {  	v8 =	vld [tilespmem:s2+$0x10];
	v2 =	vxor.u32 $0x80, v2  }
0x9b: {  	[tilespmem:s1+$0xFFFFFF80] =	vst v7;
	v3 =	vld.idx.msk [tilespmem:v3+s3+$0x0], $0xffff;
	v7 =	vand.u32 $0xFF, v61  }
0x9c: {  	v62 =	vld [tilespmem:s2+$0xFFFFFF90];
	v7 =	vxor.u32 $0x80, v7  }
0x9d: {  	[tilespmem:s31+$0x20] =	vst v0;
	v0 =	vld.idx.msk [tilespmem:v4+s3+$0x0], $0xffff;
	v4 =	vand.u32 $0xFF, v6  }
0x9e: {  	v10 =	vld [tilespmem:s0+$0x30];
	v4 =	vxor.u32 $0x80, v4  }
0x9f: {  	[tilespmem:s31+$0xFFFFFFA0] =	vst v1;
	v6 =	vand.u32 $0xFF, v8;
	v1 =	vld.idx.msk [tilespmem:v2+s3+$0x0], $0xffff  }
0xa0: {  	v8 =	vld [tilespmem:s0+$0xFFFFFFB0];
	v6 =	vxor.u32 $0x80, v6  }
0xa1: {  	v2 =	vand.u32 $0xFF, v62;
	[tilespmem:s29+$0x40] =	vst v3;
	v63 =	vld.idx.msk [tilespmem:v7+s3+$0x0], $0xffff  }
0xa2: {  	v3 =	vxor.u32 $0x80, v2;
	v11 =	vld [tilespmem:s30+$0x50]  }
0xa3: {  	[tilespmem:s29+$0xFFFFFFC0] =	vst v0;
	v0 =	vld.idx.msk [tilespmem:v4+s3+$0x0], $0xffff;
	v4 =	vand.u32 $0xFF, v10  }
0xa4: {  	[tilespmem:s25+$0x70] =	vst v5;
	v2 =	vld [tilespmem:s30+$0xFFFFFFD0];
	v5 =	vxor.u32 $0x80, v4  }
0xa5: {  	[tilespmem:s26+$0x60] =	vst v1;
	v7 =	vand.u32 $0xFF, v8;
	v6 =	vld.idx.msk [tilespmem:v6+s3+$0x0], $0xffff  }
0xa6: {  	v1 =	vld [tilespmem:s28+$0x70];
	v4 =	vxor.u32 $0x80, v7  }
0xa7: {  	s17 =	simm.s32 $0x680;
	s16 =	simm.s32 $0x8;
	[tilespmem:s26+$0xFFFFFFE0] =	vst v63;
	v7 =	vld.idx.msk [tilespmem:v3+s3+$0x0], $0xffff;
	v3 =	vand.u32 $0xFF, v11  }
.LBB2_2:
0xa8: {  	v8 =	vld [tilespmem:s17+$0x0];
	s16 =	sadd.s32 $0x2, s16;
	v3 =	vxor.u32 $0x80, v3  }
0xa9: {  	p0 =	slt.u32 s16, $0xC6;
	v5 =	vld.idx.msk [tilespmem:v5+s3+$0x0], $0xffff;
	v2 =	vand.u32 $0xFF, v2;
	[tilespmem:s25+$0xFFFFFFF0] =	vst v0;
	s25 =	smov.u32 s26;
	s26 =	smov.u32 s29  }
0xaa: {  	s29 =	smov.u32 s31;
	s31 =	smov.u32 s1;
	v0 =	vld [tilespmem:s17+$0xFFFFFF80];
	v2 =	vxor.u32 $0x80, v2  }
0xab: {  	[tilespmem:s1+$0x10] =	vst v6;
	v4 =	vld.idx.msk [tilespmem:v4+s3+$0x0], $0xffff;
	v1 =	vand.u32 $0xFF, v1  }
0xac: {  	v6 =	vld [tilespmem:s2+$0x20];
	v1 =	vxor.u32 $0x80, v1  }
0xad: {  	v8 =	vand.u32 $0xFF, v8;
	[tilespmem:s1+$0xFFFFFF90] =	vst v7;
	v3 =	vld.idx.msk [tilespmem:v3+s3+$0x0], $0xffff  }
0xae: {  	v7 =	vxor.u32 $0x80, v8;
	v8 =	vld [tilespmem:s2+$0xFFFFFFA0]  }
0xaf: {  	v0 =	vand.u32 $0xFF, v0;
	[tilespmem:s29+$0x30] =	vst v5;
	v2 =	vld.idx.msk [tilespmem:v2+s3+$0x0], $0xffff  }
0xb0: {  	v0 =	vxor.u32 $0x80, v0;
	v5 =	vld [tilespmem:s0+$0x40]  }
0xb1: {  	v6 =	vand.u32 $0xFF, v6;
	[tilespmem:s29+$0xFFFFFFB0] =	vst v4;
	v1 =	vld.idx.msk [tilespmem:v1+s3+$0x0], $0xffff  }
0xb2: {  	v4 =	vxor.u32 $0x80, v6;
	v6 =	vld [tilespmem:s0+$0xFFFFFFC0]  }
0xb3: {  	v7 =	vld.idx.msk [tilespmem:v7+s3+$0x0], $0xffff;
	v8 =	vand.u32 $0xFF, v8;
	[tilespmem:s26+$0x50] =	vst v3  }
0xb4: {  	v3 =	vxor.u32 $0x80, v8;
	v8 =	vld [tilespmem:s30+$0x60]  }
0xb5: {  	v0 =	vld.idx.msk [tilespmem:v0+s3+$0x0], $0xffff;
	v5 =	vand.u32 $0xFF, v5;
	[tilespmem:s26+$0xFFFFFFD0] =	vst v2  }
0xb6: {  	v2 =	vxor.u32 $0x80, v5;
	v5 =	vld [tilespmem:s30+$0xFFFFFFE0]  }
0xb7: {  	v4 =	vld.idx.msk [tilespmem:v4+s3+$0x0], $0xffff;
	v6 =	vand.u32 $0xFF, v6;
	[tilespmem:s25+$0x70] =	vst v1  }
0xb8: {  	s1 =	sadd.s32 $0x100, s1;
	v1 =	vxor.u32 $0x80, v6;
	v6 =	vld [tilespmem:s28+$0xFFFFFFF0];
	s28 =	smov.u32 s30;
	s30 =	smov.u32 s0  }
0xb9: {  	s0 =	smov.u32 s2;
	s2 =	smov.u32 s17;
	[tilespmem:s1+$0x0] =	vst v7;
	v3 =	vld.idx.msk [tilespmem:v3+s3+$0x0], $0xffff;
	v7 =	vand.u32 $0xFF, v8  }
0xba: {  	v8 =	vld [tilespmem:s17+$0x10];
	v7 =	vxor.u32 $0x80, v7  }
0xbb: {  	[tilespmem:s1+$0xFFFFFF80] =	vst v0;
	v0 =	vld.idx.msk [tilespmem:v2+s3+$0x0], $0xffff;
	v2 =	vand.u32 $0xFF, v5  }
0xbc: {  	v5 =	vld [tilespmem:s17+$0xFFFFFF90];
	v2 =	vxor.u32 $0x80, v2  }
0xbd: {  	[tilespmem:s31+$0x20] =	vst v4;
	v1 =	vld.idx.msk [tilespmem:v1+s3+$0x0], $0xffff;
	v4 =	vand.u32 $0xFF, v6  }
0xbe: {  	v6 =	vld [tilespmem:s0+$0x30];
	v4 =	vxor.u32 $0x80, v4  }
0xbf: {  	v8 =	vand.u32 $0xFF, v8;
	[tilespmem:s31+$0xFFFFFFA0] =	vst v3;
	v3 =	vld.idx.msk [tilespmem:v7+s3+$0x0], $0xffff  }
0xc0: {  	v7 =	vxor.u32 $0x80, v8;
	v8 =	vld [tilespmem:s0+$0xFFFFFFB0]  }
0xc1: {  	v5 =	vand.u32 $0xFF, v5;
	[tilespmem:s29+$0x40] =	vst v0;
	v9 =	vld.idx.msk [tilespmem:v2+s3+$0x0], $0xffff  }
0xc2: {  	v10 =	vxor.u32 $0x80, v5;
	v11 =	vld [tilespmem:s30+$0x50]  }
.Ltmp0:
0xc3: {  	v2 =	vand.u32 $0xFF, v6;
	[tilespmem:s29+$0xFFFFFFC0] =	vst v1;
	v0 =	vld.idx.msk [tilespmem:v4+s3+$0x0], $0xffff;
	(pc) =	sbr.rel @p0 .LBB2_2-.Ltmp0, $4  }
0xc4: {  	v5 =	vxor.u32 $0x80, v2;
	v2 =	vld [tilespmem:s30+$0xFFFFFFD0]  }
0xc5: {  	v6 =	vld.idx.msk [tilespmem:v7+s3+$0x0], $0xffff;
	v1 =	vand.u32 $0xFF, v8;
	[tilespmem:s26+$0x60] =	vst v3  }
0xc6: {  	v4 =	vxor.u32 $0x80, v1;
	v1 =	vld [tilespmem:s28+$0x70]  }
0xc7: {  	s17 =	sadd.s32 $0x100, s17;
	v7 =	vld.idx.msk [tilespmem:v10+s3+$0x0], $0xffff;
	v3 =	vand.u32 $0xFF, v11;
	[tilespmem:s26+$0xFFFFFFE0] =	vst v9  }
0xc8: {  	_ =	sdelay $0x2  }
0xc9: {  	[tilespmem:s1+$0x10] =	vst v6  }
0xca: {  	v6 =	vld [tilespmem:s2+$0x20];
	[tilespmem:s1+$0xFFFFFF90] =	vst v7  }
0xcb: {  	v7 =	vld [tilespmem:s2+$0xFFFFFFA0];
	_ =	sdelay $0x3  }
0xcc: {  	v6 =	vand.u32 $0xFF, v6  }
0xcd: {  	v6 =	vxor.u32 $0x80, v6;
	v7 =	vand.u32 $0xFF, v7  }
0xce: {  	v7 =	vxor.u32 $0x80, v7;
	_ =	sdelay $0x3  }
0xcf: {  	v6 =	vld.idx.msk [tilespmem:v6+s3+$0x0], $0xffff  }
0xd0: {  	v7 =	vld.idx.msk [tilespmem:v7+s3+$0x0], $0xffff;
	_ =	sdelay $0x3  }
0xd1: {  	[tilespmem:s1+$0x20] =	vst v6  }
0xd2: {  	v6 =	vld [tilespmem:s2+$0x30];
	[tilespmem:s1+$0xFFFFFFA0] =	vst v7  }
0xd3: {  	v7 =	vld [tilespmem:s2+$0xFFFFFFB0];
	_ =	sdelay $0x3  }
0xd4: {  	v6 =	vand.u32 $0xFF, v6  }
0xd5: {  	v6 =	vxor.u32 $0x80, v6;
	v7 =	vand.u32 $0xFF, v7  }
0xd6: {  	v7 =	vxor.u32 $0x80, v7  }
0xd7: {  	v5 =	vld.idx.msk [tilespmem:v5+s3+$0x0], $0xffff  }
0xd8: {  	v4 =	vld.idx.msk [tilespmem:v4+s3+$0x0], $0xffff;
	_ =	sdelay $0x1  }
0xd9: {  	v6 =	vld.idx.msk [tilespmem:v6+s3+$0x0], $0xffff  }
0xda: {  	v7 =	vld.idx.msk [tilespmem:v7+s3+$0x0], $0xffff  }
0xdb: {  	[tilespmem:s31+$0x30] =	vst v5  }
0xdc: {  	[tilespmem:s31+$0xFFFFFFB0] =	vst v4;
	v5 =	vld [tilespmem:s0+$0x40]  }
0xdd: {  	v4 =	vld [tilespmem:s0+$0xFFFFFFC0]  }
0xde: {  	[tilespmem:s1+$0x30] =	vst v6  }
0xdf: {  	v6 =	vld [tilespmem:s2+$0x40];
	[tilespmem:s1+$0xFFFFFFB0] =	vst v7  }
0xe0: {  	v7 =	vld [tilespmem:s2+$0xFFFFFFC0]  }
0xe1: {  	v5 =	vand.u32 $0xFF, v5  }
0xe2: {  	v4 =	vand.u32 $0xFF, v4;
	v5 =	vxor.u32 $0x80, v5  }
0xe3: {  	v4 =	vxor.u32 $0x80, v4  }
0xe4: {  	v6 =	vand.u32 $0xFF, v6  }
0xe5: {  	v6 =	vxor.u32 $0x80, v6;
	v7 =	vand.u32 $0xFF, v7  }
0xe6: {  	v7 =	vxor.u32 $0x80, v7  }
0xe7: {  	v5 =	vld.idx.msk [tilespmem:v5+s3+$0x0], $0xffff  }
0xe8: {  	v4 =	vld.idx.msk [tilespmem:v4+s3+$0x0], $0xffff;
	_ =	sdelay $0x1  }
0xe9: {  	v6 =	vld.idx.msk [tilespmem:v6+s3+$0x0], $0xffff  }
0xea: {  	v7 =	vld.idx.msk [tilespmem:v7+s3+$0x0], $0xffff  }
0xeb: {  	[tilespmem:s31+$0x40] =	vst v5  }
0xec: {  	[tilespmem:s31+$0xFFFFFFC0] =	vst v4;
	v5 =	vld [tilespmem:s0+$0x50]  }
0xed: {  	v2 =	vand.u32 $0xFF, v2;
	v4 =	vld [tilespmem:s0+$0xFFFFFFD0]  }
0xee: {  	v2 =	vxor.u32 $0x80, v2;
	[tilespmem:s1+$0x40] =	vst v6  }
0xef: {  	v6 =	vld [tilespmem:s2+$0x50];
	[tilespmem:s1+$0xFFFFFFC0] =	vst v7  }
0xf0: {  	v7 =	vld [tilespmem:s2+$0xFFFFFFD0]  }
0xf1: {  	v3 =	vxor.u32 $0x80, v3;
	v5 =	vand.u32 $0xFF, v5  }
0xf2: {  	v4 =	vand.u32 $0xFF, v4;
	v5 =	vxor.u32 $0x80, v5  }
0xf3: {  	v2 =	vld.idx.msk [tilespmem:v2+s3+$0x0], $0xffff;
	v4 =	vxor.u32 $0x80, v4  }
0xf4: {  	v6 =	vand.u32 $0xFF, v6  }
0xf5: {  	v6 =	vxor.u32 $0x80, v6;
	v7 =	vand.u32 $0xFF, v7  }
0xf6: {  	v3 =	vld.idx.msk [tilespmem:v3+s3+$0x0], $0xffff;
	v7 =	vxor.u32 $0x80, v7  }
0xf7: {  	v5 =	vld.idx.msk [tilespmem:v5+s3+$0x0], $0xffff  }
0xf8: {  	[tilespmem:s29+$0xFFFFFFD0] =	vst v2;
	v4 =	vld.idx.msk [tilespmem:v4+s3+$0x0], $0xffff  }
0xf9: {  	v2 =	vld [tilespmem:s30+$0xFFFFFFE0]  }
0xfa: {  	v6 =	vld.idx.msk [tilespmem:v6+s3+$0x0], $0xffff  }
0xfb: {  	[tilespmem:s29+$0x50] =	vst v3;
	v3 =	vld.idx.msk [tilespmem:v7+s3+$0x0], $0xffff  }
0xfc: {  	[tilespmem:s31+$0x50] =	vst v5;
	v7 =	vld [tilespmem:s30+$0x60]  }
0xfd: {  	[tilespmem:s31+$0xFFFFFFD0] =	vst v4;
	v5 =	vld [tilespmem:s0+$0x60]  }
0xfe: {  	v2 =	vand.u32 $0xFF, v2;
	v4 =	vld [tilespmem:s0+$0xFFFFFFE0]  }
0xff: {  	v2 =	vxor.u32 $0x80, v2;
	[tilespmem:s1+$0x50] =	vst v6  }
0x100: {  	v6 =	vld [tilespmem:s2+$0x60];
	[tilespmem:s1+$0xFFFFFFD0] =	vst v3  }
0x101: {  	v3 =	vand.u32 $0xFF, v7;
	v7 =	vld [tilespmem:s2+$0xFFFFFFE0]  }
0x102: {  	v5 =	vand.u32 $0xFF, v5;
	v3 =	vxor.u32 $0x80, v3  }
0x103: {  	v4 =	vand.u32 $0xFF, v4;
	v5 =	vxor.u32 $0x80, v5  }
0x104: {  	v2 =	vld.idx.msk [tilespmem:v2+s3+$0x0], $0xffff;
	v4 =	vxor.u32 $0x80, v4  }
0x105: {  	v6 =	vand.u32 $0xFF, v6  }
0x106: {  	v8 =	vld [tilespmem:s28+$0xFFFFFFF0];
	v6 =	vxor.u32 $0x80, v6;
	v7 =	vand.u32 $0xFF, v7  }
0x107: {  	v3 =	vld.idx.msk [tilespmem:v3+s3+$0x0], $0xffff;
	v7 =	vxor.u32 $0x80, v7  }
0x108: {  	v5 =	vld.idx.msk [tilespmem:v5+s3+$0x0], $0xffff  }
0x109: {  	[tilespmem:s29+$0xFFFFFFE0] =	vst v2;
	v4 =	vld.idx.msk [tilespmem:v4+s3+$0x0], $0xffff  }
0x10a: {  	v2 =	vld [tilespmem:s30+$0xFFFFFFF0]  }
0x10b: {  	v6 =	vld.idx.msk [tilespmem:v6+s3+$0x0], $0xffff  }
0x10c: {  	[tilespmem:s29+$0x60] =	vst v3;
	v3 =	vld.idx.msk [tilespmem:v7+s3+$0x0], $0xffff  }
0x10d: {  	[tilespmem:s31+$0x60] =	vst v5;
	v7 =	vld [tilespmem:s30+$0x70]  }
0x10e: {  	[tilespmem:s31+$0xFFFFFFE0] =	vst v4;
	v5 =	vld [tilespmem:s0+$0x70]  }
0x10f: {  	v1 =	vand.u32 $0xFF, v1;
	v4 =	vld [tilespmem:s0+$0xFFFFFFF0]  }
0x110: {  	v1 =	vxor.u32 $0x80, v1;
	[tilespmem:s1+$0x60] =	vst v6  }
0x111: {  	v6 =	vand.u32 $0xFF, v8;
	v8 =	vld [tilespmem:s2+$0x70];
	[tilespmem:s1+$0xFFFFFFE0] =	vst v3  }
0x112: {  	v2 =	vand.u32 $0xFF, v2;
	v3 =	vxor.u32 $0x80, v6;
	v6 =	vand.u32 $0xFF, v7;
	v7 =	vld [tilespmem:s2+$0xFFFFFFF0]  }
0x113: {  	v2 =	vxor.u32 $0x80, v2;
	v5 =	vand.u32 $0xFF, v5  }
0x114: {  	v4 =	vand.u32 $0xFF, v4;
	v5 =	vxor.u32 $0x80, v5  }
0x115: {  	v1 =	vld.idx.msk [tilespmem:v1+s3+$0x0], $0xffff;
	v4 =	vxor.u32 $0x80, v4  }
0x116: {  	v6 =	vxor.u32 $0x80, v6;
	v8 =	vand.u32 $0xFF, v8  }
0x117: {  	v3 =	vld.idx.msk [tilespmem:v3+s3+$0x0], $0xffff;
	v8 =	vxor.u32 $0x80, v8;
	v7 =	vand.u32 $0xFF, v7  }
0x118: {  	v2 =	vld.idx.msk [tilespmem:v2+s3+$0x0], $0xffff;
	v7 =	vxor.u32 $0x80, v7  }
0x119: {  	[tilespmem:s25+$0xFFFFFFF0] =	vst v0;
	v0 =	vld.idx.msk [tilespmem:v5+s3+$0x0], $0xffff  }
0x11a: {  	[tilespmem:s26+$0x70] =	vst v1;
	v1 =	vld.idx.msk [tilespmem:v4+s3+$0x0], $0xffff  }
0x11b: {  	v6 =	vld.idx.msk [tilespmem:v6+s3+$0x0], $0xffff  }
0x11c: {  	[tilespmem:s26+$0xFFFFFFF0] =	vst v3;
	v3 =	vld.idx.msk [tilespmem:v8+s3+$0x0], $0xffff  }
0x11d: {  	[tilespmem:s29+$0xFFFFFFF0] =	vst v2;
	v4 =	vld.idx.msk [tilespmem:v7+s3+$0x0], $0xffff  }
0x11e: {  	[tilespmem:s31+$0x70] =	vst v0  }
0x11f: {  	[tilespmem:s31+$0xFFFFFFF0] =	vst v1  }
0x120: {  	[tilespmem:s29+$0x70] =	vst v6  }
0x121: {  	[tilespmem:s1+$0x70] =	vst v3  }
0x122: {  	[tilespmem:s1+$0xFFFFFFF0] =	vst v4  }
0x123: {  	[hbm4b:s6+s14] =	stream.strided.scatter [tilespmem:s19], [sflag:$0x3], $0x6400, s15, s14, $0x38;
	[tilespmem:$0x19100] =	vst v63  }
0x124: {  	s31 =	simm.s32 $0x100  }
0x125: {  	[tilespmem:s31], [sflag:$0x1] =	stream.strided.gather [hbm4b:s7+s14], $0x6400, s15, s14, $0x38;
	[tilespmem:$0x19100] =	vst v63  }
0x126: {  	_ =	swait.ge [sflag:s20], $0x6400  }
0x127: {  	[sflag:s20] =	ssyncset.done $0x0  }
0x128: {  	s0 =	simm.s32 $0x0;
	[sflag:s20] =	ssyncadd.s32 $0xFFFF9C00  }
0x129: {  	v0 =	vld [tilespmem:s0+$0x6580];
	_ =	sdelay $0x4  }
0x12a: {  	v1 =	vld [tilespmem:s0+$0x6500];
	v0 =	vand.u32 $0xFF, v0  }
0x12b: {  	v2 =	vld [tilespmem:s0+$0x6590];
	v0 =	vxor.u32 $0x80, v0;
	_ =	sdelay $0x2  }
0x12c: {  	v3 =	vld [tilespmem:s0+$0x6510]  }
0x12d: {  	v4 =	vld [tilespmem:s0+$0x65A0];
	v1 =	vand.u32 $0xFF, v1  }
0x12e: {  	v2 =	vand.u32 $0xFF, v2;
	v1 =	vxor.u32 $0x80, v1;
	v0 =	vld.idx.msk [tilespmem:v0+s3+$0x0], $0xffff  }
0x12f: {  	v5 =	vld [tilespmem:s0+$0x6520];
	v2 =	vxor.u32 $0x80, v2  }
0x130: {  	v6 =	vld [tilespmem:s0+$0x6530]  }
0x131: {  	v7 =	vld [tilespmem:s0+$0x6540]  }
0x132: {  	v8 =	vld [tilespmem:s0+$0x6550]  }
0x133: {  	v3 =	vand.u32 $0xFF, v3;
	v1 =	vld.idx.msk [tilespmem:v1+s3+$0x0], $0xffff;
	[tilespmem:s0+$0x12D80] =	vst v0  }
0x134: {  	v3 =	vxor.u32 $0x80, v3;
	v0 =	vld.idx.msk [tilespmem:v2+s3+$0x0], $0xffff;
	v2 =	vand.u32 $0xFF, v4  }
0x135: {  	v4 =	vld [tilespmem:s0+$0x65B0];
	v2 =	vxor.u32 $0x80, v2  }
0x136: {  	s25 =	simm.s32 $0x100;
	v9 =	vld [tilespmem:s0+$0x65C0]  }
0x137: {  	v10 =	vld [tilespmem:s25+$0x6510]  }
0x138: {  	v11 =	vld [tilespmem:s0+$0x65D0];
	[tilespmem:s0+$0x12D00] =	vst v1  }
0x139: {  	v1 =	vand.u32 $0xFF, v5;
	v3 =	vld.idx.msk [tilespmem:v3+s3+$0x0], $0xffff;
	[tilespmem:s0+$0x12D90] =	vst v0  }
0x13a: {  	v1 =	vxor.u32 $0x80, v1;
	v4 =	vand.u32 $0xFF, v4;
	v2 =	vld.idx.msk [tilespmem:v2+s3+$0x0], $0xffff  }
0x13b: {  	v12 =	vld [tilespmem:s25+$0x6520];
	v4 =	vxor.u32 $0x80, v4  }
0x13c: {  	v13 =	vld [tilespmem:s25+$0x6530]  }
0x13d: {  	v14 =	vld [tilespmem:s25+$0x6590]  }
0x13e: {  	[tilespmem:s0+$0x12D10] =	vst v3;
	v3 =	vld [tilespmem:s25+$0x6580]  }
0x13f: {  	v1 =	vld.idx.msk [tilespmem:v1+s3+$0x0], $0xffff;
	[tilespmem:s0+$0x12DA0] =	vst v2  }
0x140: {  	v2 =	vld.idx.msk [tilespmem:v4+s3+$0x0], $0xffff  }
0x141: {  	v4 =	vld [tilespmem:s25+$0x6500]  }
0x142: {  	s1 =	simm.s32 $0x200;
	v15 =	vld [tilespmem:s25+$0x65A0];
	v6 =	vand.u32 $0xFF, v6  }
0x143: {  	v16 =	vld [tilespmem:s1+$0x6530];
	v9 =	vand.u32 $0xFF, v9;
	v6 =	vxor.u32 $0x80, v6  }
0x144: {  	v17 =	vld [tilespmem:s1+$0x6590];
	v9 =	vxor.u32 $0x80, v9;
	v3 =	vand.u32 $0xFF, v3  }
0x145: {  	v63 =	vld [tilespmem:s1+$0x65B0];
	v3 =	vxor.u32 $0x80, v3  }
0x146: {  	v18 =	vld [tilespmem:s1+$0x6560];
	[tilespmem:s0+$0x12D20] =	vst v1;
	v4 =	vand.u32 $0xFF, v4  }
0x147: {  	v21 =	vld [tilespmem:s1+$0x6570];
	[tilespmem:s0+$0x12DB0] =	vst v2;
	v2 =	vxor.u32 $0x80, v4  }
0x148: {  	v6 =	vld.idx.msk [tilespmem:v6+s3+$0x0], $0xffff  }
0x149: {  	v4 =	vld.idx.msk [tilespmem:v9+s3+$0x0], $0xffff  }
0x14a: {  	v3 =	vld.idx.msk [tilespmem:v3+s3+$0x0], $0xffff;
	v9 =	vand.u32 $0xFF, v11  }
0x14b: {  	v14 =	vand.u32 $0xFF, v14;
	v11 =	vld [tilespmem:s0+$0x65E0];
	v9 =	vxor.u32 $0x80, v9  }
0x14c: {  	v14 =	vxor.u32 $0x80, v14;
	v2 =	vld.idx.msk [tilespmem:v2+s3+$0x0], $0xffff  }
0x14d: {  	v10 =	vand.u32 $0xFF, v10;
	v5 =	vld [tilespmem:s0+$0x6560]  }
0x14e: {  	v7 =	vand.u32 $0xFF, v7;
	v0 =	vld [tilespmem:s0+$0x6570];
	[tilespmem:s0+$0x12DC0] =	vst v4;
	v4 =	vxor.u32 $0x80, v10  }
0x14f: {  	v7 =	vxor.u32 $0x80, v7;
	v1 =	vld [tilespmem:s25+$0x6540];
	[tilespmem:s0+$0x12D30] =	vst v6  }
0x150: {  	[tilespmem:s25+$0x12D80] =	vst v3;
	v9 =	vld.idx.msk [tilespmem:v9+s3+$0x0], $0xffff  }
0x151: {  	v6 =	vand.u32 $0xFF, v11;
	[tilespmem:s25+$0x12D00] =	vst v2;
	v2 =	vld.idx.msk [tilespmem:v14+s3+$0x0], $0xffff  }
0x152: {  	v11 =	vand.u32 $0xFF, v15;
	v6 =	vxor.u32 $0x80, v6;
	v14 =	vld [tilespmem:s25+$0x65B0]  }
0x153: {  	v11 =	vxor.u32 $0x80, v11;
	v4 =	vld.idx.msk [tilespmem:v4+s3+$0x0], $0xffff  }
0x154: {  	v8 =	vand.u32 $0xFF, v8;
	v7 =	vld.idx.msk [tilespmem:v7+s3+$0x0], $0xffff  }
0x155: {  	v8 =	vxor.u32 $0x80, v8;
	v3 =	vld [tilespmem:s0+$0x65F0]  }
0x156: {  	v12 =	vand.u32 $0xFF, v12;
	v10 =	vld [tilespmem:s25+$0x6550];
	[tilespmem:s0+$0x12DD0] =	vst v9  }
0x157: {  	v9 =	vxor.u32 $0x80, v12;
	v6 =	vld.idx.msk [tilespmem:v6+s3+$0x0], $0xffff;
	[tilespmem:s25+$0x12D90] =	vst v2  }
0x158: {  	[tilespmem:s25+$0x12D10] =	vst v4;
	v2 =	vld.idx.msk [tilespmem:v11+s3+$0x0], $0xffff;
	v4 =	vand.u32 $0xFF, v14  }
0x159: {  	[tilespmem:s0+$0x12D40] =	vst v7;
	v15 =	vld [tilespmem:s1+$0x6520];
	v4 =	vxor.u32 $0x80, v4  }
0x15a: {  	v7 =	vld.idx.msk [tilespmem:v8+s3+$0x0], $0xffff  }
0x15b: {  	v11 =	vld [tilespmem:s25+$0x65C0]  }
0x15c: {  	v9 =	vld.idx.msk [tilespmem:v9+s3+$0x0], $0xffff;
	[tilespmem:s0+$0x12DE0] =	vst v6  }
0x15d: {  	v13 =	vand.u32 $0xFF, v13;
	v6 =	vld [tilespmem:s1+$0x6580];
	[tilespmem:s25+$0x12DA0] =	vst v2  }
0x15e: {  	v13 =	vxor.u32 $0x80, v13;
	v5 =	vand.u32 $0xFF, v5;
	v2 =	vld.idx.msk [tilespmem:v4+s3+$0x0], $0xffff  }
0x15f: {  	v5 =	vxor.u32 $0x80, v5;
	v4 =	vld [tilespmem:s1+$0x6500]  }
0x160: {  	v8 =	vld [tilespmem:s25+$0x6570];
	[tilespmem:s0+$0x12D50] =	vst v7;
	v7 =	vand.u32 $0xFF, v11  }
0x161: {  	v14 =	vld [tilespmem:s25+$0x65D0];
	v7 =	vxor.u32 $0x80, v7  }
0x162: {  	v12 =	vld [tilespmem:s25+$0x6560];
	v6 =	vand.u32 $0xFF, v6;
	[tilespmem:s25+$0x12D20] =	vst v9  }
0x163: {  	v1 =	vand.u32 $0xFF, v1;
	v6 =	vxor.u32 $0x80, v6;
	v13 =	vld.idx.msk [tilespmem:v13+s3+$0x0], $0xffff  }
0x164: {  	v1 =	vxor.u32 $0x80, v1;
	v5 =	vld.idx.msk [tilespmem:v5+s3+$0x0], $0xffff;
	v4 =	vand.u32 $0xFF, v4  }
0x165: {  	v11 =	vld [tilespmem:s1+$0x6510];
	[tilespmem:s25+$0x12DB0] =	vst v2;
	v2 =	vxor.u32 $0x80, v4  }
0x166: {  	v4 =	vld.idx.msk [tilespmem:v7+s3+$0x0], $0xffff;
	v7 =	vand.u32 $0xFF, v14  }
0x167: {  	v14 =	vld [tilespmem:s25+$0x65E0];
	v7 =	vxor.u32 $0x80, v7  }
0x168: {  	v3 =	vand.u32 $0xFF, v3;
	v6 =	vld.idx.msk [tilespmem:v6+s3+$0x0], $0xffff;
	[tilespmem:s25+$0x12D30] =	vst v13  }
0x169: {  	v3 =	vxor.u32 $0x80, v3;
	v1 =	vld.idx.msk [tilespmem:v1+s3+$0x0], $0xffff  }
0x16a: {  	v17 =	vand.u32 $0xFF, v17;
	v2 =	vld.idx.msk [tilespmem:v2+s3+$0x0], $0xffff  }
0x16b: {  	v17 =	vxor.u32 $0x80, v17;
	v11 =	vand.u32 $0xFF, v11;
	[tilespmem:s25+$0x12DC0] =	vst v4;
	v4 =	vld [tilespmem:s1+$0x65A0]  }
0x16c: {  	v11 =	vxor.u32 $0x80, v11;
	v14 =	vand.u32 $0xFF, v14;
	v7 =	vld.idx.msk [tilespmem:v7+s3+$0x0], $0xffff  }
0x16d: {  	[tilespmem:s1+$0x12D80] =	vst v6;
	v6 =	vld [tilespmem:s25+$0x65F0];
	v14 =	vxor.u32 $0x80, v14  }
0x16e: {  	v10 =	vand.u32 $0xFF, v10;
	v3 =	vld.idx.msk [tilespmem:v3+s3+$0x0], $0xffff  }
0x16f: {  	v9 =	vld [tilespmem:s1+$0x6540];
	[tilespmem:s1+$0x12D00] =	vst v2;
	v2 =	vxor.u32 $0x80, v10  }
0x170: {  	v10 =	vld.idx.msk [tilespmem:v17+s3+$0x0], $0xffff;
	v4 =	vand.u32 $0xFF, v4  }
0x171: {  	v15 =	vand.u32 $0xFF, v15;
	v11 =	vld.idx.msk [tilespmem:v11+s3+$0x0], $0xffff;
	v4 =	vxor.u32 $0x80, v4;
	[tilespmem:s25+$0x12DD0] =	vst v7  }
0x172: {  	v15 =	vxor.u32 $0x80, v15;
	[tilespmem:s25+$0x12D40] =	vst v1;
	v1 =	vand.u32 $0xFF, v6;
	v14 =	vld.idx.msk [tilespmem:v14+s3+$0x0], $0xffff  }
0x173: {  	v0 =	vand.u32 $0xFF, v0;
	v13 =	vld [tilespmem:s1+$0x6550];
	v19 =	vxor.u32 $0x80, v1  }
0x174: {  	v20 =	vxor.u32 $0x80, v0;
	v0 =	vand.u32 $0xFF, v12;
	[tilespmem:s0+$0x12DF0] =	vst v3;
	v6 =	vld.idx.msk [tilespmem:v2+s3+$0x0], $0xffff  }
0x175: {  	v3 =	vand.u32 $0xFF, v9;
	v1 =	vxor.u32 $0x80, v0;
	[tilespmem:s1+$0x12D90] =	vst v10;
	v10 =	vld [tilespmem:s1+$0x65C0]  }
0x176: {  	v9 =	vand.u32 $0xFF, v63;
	v3 =	vxor.u32 $0x80, v3;
	v0 =	vand.u32 $0xFF, v8;
	[tilespmem:s1+$0x12D10] =	vst v11;
	v7 =	vld.idx.msk [tilespmem:v4+s3+$0x0], $0xffff  }
0x177: {  	v12 =	vxor.u32 $0x80, v9;
	v0 =	vxor.u32 $0x80, v0;
	v2 =	vand.u32 $0xFF, v16;
	v8 =	vld.idx.msk [tilespmem:v15+s3+$0x0], $0xffff;
	[tilespmem:s25+$0x12DE0] =	vst v14  }
0x178: {  	[tilespmem:s0+$0x12D60] =	vst v5;
	v4 =	vxor.u32 $0x80, v2;
	v2 =	vand.u32 $0xFF, v13;
	v11 =	vand.u32 $0xFF, v18;
	v5 =	vld.idx.msk [tilespmem:v19+s3+$0x0], $0xffff  }
0x179: {  	s16 =	simm.s32 $0xC00;
	s2 =	simm.s32 $0x4;
	v2 =	vxor.u32 $0x80, v2;
	v9 =	vxor.u32 $0x80, v11;
	v11 =	vand.u32 $0xFF, v21;
	[tilespmem:s25+$0x12D50] =	vst v6;
	v6 =	vld.idx.msk [tilespmem:v20+s3+$0x0], $0xffff  }
.LBB2_4:
0x17a: {  	s17 =	sshra.s32 s16, $0x2;
	v13 =	vxor.u32 $0x80, v11;
	v11 =	vld.idx.msk [tilespmem:v1+s3+$0x0], $0xffff;
	v1 =	vmov v9  }
0x17b: {  	s2 =	sadd.s32 $0x2, s2;
	v9 =	vld [tilespmem:s17+$0x6580];
	[tilespmem:s1+$0x12DA0] =	vst v7  }
0x17c: {  	p0 =	slt.u32 s2, $0xC6;
	[tilespmem:s1+$0x12D20] =	vst v8;
	v7 =	vld.idx.msk [tilespmem:v12+s3+$0x0], $0xffff  }
0x17d: {  	v10 =	vand.u32 $0xFF, v10;
	v8 =	vld [tilespmem:s17+$0x6500]  }
0x17e: {  	v10 =	vxor.u32 $0x80, v10;
	v12 =	vld [tilespmem:s17+$0x6510];
	[tilespmem:s25+$0x12DF0] =	vst v5  }
0x17f: {  	v5 =	vld [tilespmem:s1+$0x65D0];
	[tilespmem:s0+$0x12D70] =	vst v6;
	s0 =	smov.u32 s25;
	s25 =	smov.u32 s1;
	s1 =	smov.u32 s17  }
0x180: {  	v6 =	vld [tilespmem:s1+$0x6520];
	[tilespmem:s0+$0x12D60] =	vst v11  }
0x181: {  	v9 =	vand.u32 $0xFF, v9;
	v11 =	vld [tilespmem:s1+$0x6530]  }
0x182: {  	v9 =	vxor.u32 $0x80, v9;
	v8 =	vand.u32 $0xFF, v8;
	v14 =	vld [tilespmem:s1+$0x6590];
	[tilespmem:s25+$0x12DB0] =	vst v7  }
0x183: {  	v7 =	vxor.u32 $0x80, v8;
	v8 =	vand.u32 $0xFF, v12;
	v10 =	vld.idx.msk [tilespmem:v10+s3+$0x0], $0xffff  }
0x184: {  	v8 =	vxor.u32 $0x80, v8;
	v12 =	vld [tilespmem:s1+$0x6540];
	v5 =	vand.u32 $0xFF, v5  }
0x185: {  	v6 =	vand.u32 $0xFF, v6;
	v15 =	vld.idx.msk [tilespmem:v4+s3+$0x0], $0xffff;
	v5 =	vxor.u32 $0x80, v5  }
0x186: {  	v6 =	vxor.u32 $0x80, v6;
	v4 =	vand.u32 $0xFF, v11;
	v11 =	vld [tilespmem:s25+$0x65E0]  }
0x187: {  	v4 =	vxor.u32 $0x80, v4;
	v9 =	vld.idx.msk [tilespmem:v9+s3+$0x0], $0xffff  }
0x188: {  	v14 =	vand.u32 $0xFF, v14;
	v7 =	vld.idx.msk [tilespmem:v7+s3+$0x0], $0xffff  }
0x189: {  	v14 =	vxor.u32 $0x80, v14;
	v12 =	vand.u32 $0xFF, v12;
	v16 =	vld [tilespmem:s1+$0x65A0];
	[tilespmem:s25+$0x12DC0] =	vst v10  }
0x18a: {  	v10 =	vxor.u32 $0x80, v12;
	v5 =	vld.idx.msk [tilespmem:v5+s3+$0x0], $0xffff  }
0x18b: {  	v12 =	vld [tilespmem:s1+$0x6550];
	[tilespmem:s25+$0x12D30] =	vst v15;
	v11 =	vand.u32 $0xFF, v11  }
0x18c: {  	v15 =	vld.idx.msk [tilespmem:v3+s3+$0x0], $0xffff;
	v11 =	vxor.u32 $0x80, v11;
	v3 =	vmov v10  }
0x18d: {  	[tilespmem:s1+$0x12D80] =	vst v9;
	v9 =	vld [tilespmem:s25+$0x65F0]  }
0x18e: {  	[tilespmem:s1+$0x12D00] =	vst v7;
	v7 =	vld.idx.msk [tilespmem:v14+s3+$0x0], $0xffff  }
0x18f: {  	v10 =	vand.u32 $0xFF, v16;
	v8 =	vld.idx.msk [tilespmem:v8+s3+$0x0], $0xffff  }
0x190: {  	v10 =	vxor.u32 $0x80, v10;
	v12 =	vand.u32 $0xFF, v12;
	v14 =	vld [tilespmem:s1+$0x65B0];
	[tilespmem:s25+$0x12DD0] =	vst v5  }
0x191: {  	v5 =	vxor.u32 $0x80, v12;
	v11 =	vld.idx.msk [tilespmem:v11+s3+$0x0], $0xffff  }
0x192: {  	v12 =	vld [tilespmem:s1+$0x6560];
	[tilespmem:s25+$0x12D40] =	vst v15;
	v9 =	vand.u32 $0xFF, v9  }
0x193: {  	v15 =	vld.idx.msk [tilespmem:v2+s3+$0x0], $0xffff;
	v16 =	vxor.u32 $0x80, v9;
	v2 =	vmov v5  }
0x194: {  	v17 =	vld [tilespmem:s1+$0x6570];
	[tilespmem:s1+$0x12D90] =	vst v7  }
.Ltmp1:
0x195: {  	[tilespmem:s1+$0x12D10] =	vst v8;
	v7 =	vld.idx.msk [tilespmem:v10+s3+$0x0], $0xffff;
	(pc) =	sbr.rel @p0 .LBB2_4-.Ltmp1, $4  }
0x196: {  	v5 =	vand.u32 $0xFF, v14;
	v8 =	vld.idx.msk [tilespmem:v6+s3+$0x0], $0xffff  }
0x197: {  	v6 =	vand.u32 $0xFF, v12;
	v12 =	vxor.u32 $0x80, v5;
	v10 =	vld [tilespmem:s1+$0x65C0];
	[tilespmem:s25+$0x12DE0] =	vst v11  }
0x198: {  	v9 =	vxor.u32 $0x80, v6;
	v5 =	vld.idx.msk [tilespmem:v16+s3+$0x0], $0xffff  }
0x199: {  	s16 =	sadd.s32 $0x400, s16;
	v11 =	vand.u32 $0xFF, v17;
	[tilespmem:s25+$0x12D50] =	vst v15;
	v6 =	vld.idx.msk [tilespmem:v0+s3+$0x0], $0xffff;
	v0 =	vmov v13  }
0x19a: {  	_ =	sdelay $0x2  }
0x19b: {  	[tilespmem:s1+$0x12DA0] =	vst v7  }
0x19c: {  	v7 =	vld.idx.msk [tilespmem:v12+s3+$0x0], $0xffff;
	v10 =	vand.u32 $0xFF, v10  }
0x19d: {  	v55 =	vld [tilespmem:s1+$0x65D0];
	[tilespmem:s1+$0x12D20] =	vst v8;
	v8 =	vxor.u32 $0x80, v10  }
0x19e: {  	v4 =	vld.idx.msk [tilespmem:v4+s3+$0x0], $0xffff;
	_ =	sdelay $0x2  }
0x19f: {  	[tilespmem:s1+$0x12DB0] =	vst v7  }
0x1a0: {  	v7 =	vld.idx.msk [tilespmem:v8+s3+$0x0], $0xffff;
	v8 =	vand.u32 $0xFF, v55  }
0x1a1: {  	v56 =	vld [tilespmem:s1+$0x65E0];
	[tilespmem:s1+$0x12D30] =	vst v4;
	v8 =	vxor.u32 $0x80, v8  }
0x1a2: {  	v3 =	vld.idx.msk [tilespmem:v3+s3+$0x0], $0xffff;
	_ =	sdelay $0x2  }
0x1a3: {  	[tilespmem:s1+$0x12DC0] =	vst v7  }
0x1a4: {  	v4 =	vld.idx.msk [tilespmem:v8+s3+$0x0], $0xffff  }
0x1a5: {  	v7 =	vand.u32 $0xFF, v56;
	[tilespmem:s1+$0x12D40] =	vst v3;
	v8 =	vld [tilespmem:s1+$0x65F0]  }
0x1a6: {  	v7 =	vxor.u32 $0x80, v7;
	v2 =	vld.idx.msk [tilespmem:v2+s3+$0x0], $0xffff;
	_ =	sdelay $0x3  }
0x1a7: {  	v1 =	vld.idx.msk [tilespmem:v1+s3+$0x0], $0xffff;
	[tilespmem:s1+$0x12DD0] =	vst v4  }
0x1a8: {  	v4 =	vand.u32 $0xFF, v8;
	[tilespmem:s1+$0x12D50] =	vst v2;
	v3 =	vld.idx.msk [tilespmem:v7+s3+$0x0], $0xffff  }
0x1a9: {  	v4 =	vxor.u32 $0x80, v4;
	v2 =	vld.idx.msk [tilespmem:v9+s3+$0x0], $0xffff  }
0x1aa: {  	v7 =	vxor.u32 $0x80, v11;
	_ =	sdelay $0x1  }
0x1ab: {  	[tilespmem:s25+$0x12D60] =	vst v1  }
0x1ac: {  	v0 =	vld.idx.msk [tilespmem:v0+s3+$0x0], $0xffff;
	[tilespmem:s1+$0x12DE0] =	vst v3  }
0x1ad: {  	[tilespmem:s1+$0x12D60] =	vst v2;
	v1 =	vld.idx.msk [tilespmem:v4+s3+$0x0], $0xffff  }
0x1ae: {  	v2 =	vld.idx.msk [tilespmem:v7+s3+$0x0], $0xffff  }
0x1af: {  	[tilespmem:s25+$0x12DF0] =	vst v5  }
0x1b0: {  	[tilespmem:s0+$0x12D70] =	vst v6  }
0x1b1: {  	[tilespmem:s25+$0x12D70] =	vst v0  }
0x1b2: {  	[tilespmem:s1+$0x12DF0] =	vst v1  }
0x1b3: {  	[tilespmem:s1+$0x12D70] =	vst v2  }
0x1b4: {  	[hbm4b:s8+s14] =	stream.strided.scatter [tilespmem:s21], [sflag:$0x4], $0x6400, s15, s14, $0x38;
	[tilespmem:$0x19100] =	vst v63  }
0x1b5: {  	s26 =	simm.s32 $0x6500  }
0x1b6: {  	[tilespmem:s26], [sflag:$0x2] =	stream.strided.gather [hbm4b:s9+s14], $0x6400, s15, s14, $0x38;
	[tilespmem:$0x19100] =	vst v63  }
0x1b7: {  	_ =	swait.ge [sflag:s18], $0x6400  }
0x1b8: {  	[sflag:s18] =	ssyncset.done $0x0  }
0x1b9: {  	[sflag:s18] =	ssyncadd.s32 $0xFFFF9C00  }
0x1ba: {  	_ =	swait.ge [sflag:s22], $0x6400  }
0x1bb: {  	[sflag:s22] =	ssyncset.done $0x0  }
0x1bc: {  	s16 =	simm.s32 $0x180;
	[sflag:s22] =	ssyncadd.s32 $0xFFFF9C00  }
0x1bd: {  	v0 =	vld [tilespmem:s16+$0x0];
	_ =	sdelay $0x2  }
0x1be: {  	v1 =	vld [tilespmem:s16+$0xFFFFFF80];
	_ =	sdelay $0x1  }
0x1bf: {  	v0 =	vand.u32 $0xFF, v0  }
0x1c0: {  	v0 =	vxor.u32 $0x80, v0;
	_ =	sdelay $0x1  }
0x1c1: {  	v1 =	vand.u32 $0xFF, v1  }
0x1c2: {  	v1 =	vxor.u32 $0x80, v1;
	_ =	sdelay $0x1  }
0x1c3: {  	v0 =	vld.idx.msk [tilespmem:v0+s3+$0x0], $0xffff;
	_ =	sdelay $0x2  }
0x1c4: {  	v1 =	vld.idx.msk [tilespmem:v1+s3+$0x0], $0xffff  }
0x1c5: {  	s25 =	simm.s32 $0xC980  }
0x1c6: {  	[tilespmem:s25+$0x0] =	vst v0  }
0x1c7: {  	v0 =	vld [tilespmem:s16+$0x10];
	_ =	sdelay $0x1  }
0x1c8: {  	[tilespmem:s25+$0xFFFFFF80] =	vst v1  }
0x1c9: {  	v1 =	vld [tilespmem:s16+$0xFFFFFF90];
	_ =	sdelay $0x1  }
0x1ca: {  	v0 =	vand.u32 $0xFF, v0  }
0x1cb: {  	v0 =	vxor.u32 $0x80, v0;
	_ =	sdelay $0x1  }
0x1cc: {  	v1 =	vand.u32 $0xFF, v1  }
0x1cd: {  	v1 =	vxor.u32 $0x80, v1;
	_ =	sdelay $0x1  }
0x1ce: {  	v0 =	vld.idx.msk [tilespmem:v0+s3+$0x0], $0xffff  }
0x1cf: {  	s28 =	simm.s32 $0x280  }
0x1d0: {  	v3 =	vld [tilespmem:s28+$0xFFFFFF80]  }
0x1d1: {  	v1 =	vld.idx.msk [tilespmem:v1+s3+$0x0], $0xffff  }
0x1d2: {  	v2 =	vld [tilespmem:s28+$0x0]  }
0x1d3: {  	[tilespmem:s25+$0x10] =	vst v0  }
0x1d4: {  	v0 =	vld [tilespmem:s16+$0x20]  }
0x1d5: {  	v3 =	vand.u32 $0xFF, v3  }
0x1d6: {  	v3 =	vxor.u32 $0x80, v3;
	[tilespmem:s25+$0xFFFFFF90] =	vst v1  }
0x1d7: {  	v1 =	vand.u32 $0xFF, v2;
	v2 =	vld [tilespmem:s16+$0xFFFFFFA0]  }
0x1d8: {  	v1 =	vxor.u32 $0x80, v1  }
0x1d9: {  	v0 =	vand.u32 $0xFF, v0  }
0x1da: {  	v0 =	vxor.u32 $0x80, v0  }
0x1db: {  	v3 =	vld.idx.msk [tilespmem:v3+s3+$0x0], $0xffff  }
0x1dc: {  	v2 =	vand.u32 $0xFF, v2  }
0x1dd: {  	v1 =	vld.idx.msk [tilespmem:v1+s3+$0x0], $0xffff;
	v2 =	vxor.u32 $0x80, v2;
	_ =	sdelay $0x1  }
0x1de: {  	s26 =	simm.s32 $0xCA80;
	v0 =	vld.idx.msk [tilespmem:v0+s3+$0x0], $0xffff  }
0x1df: {  	[tilespmem:s26+$0xFFFFFF80] =	vst v3  }
0x1e0: {  	v3 =	vld [tilespmem:s28+$0xFFFFFF90]  }
0x1e1: {  	[tilespmem:s26+$0x0] =	vst v1;
	v1 =	vld.idx.msk [tilespmem:v2+s3+$0x0], $0xffff  }
0x1e2: {  	v2 =	vld [tilespmem:s28+$0x10]  }
0x1e3: {  	[tilespmem:s25+$0x20] =	vst v0  }
0x1e4: {  	v0 =	vld [tilespmem:s16+$0x30]  }
0x1e5: {  	v3 =	vand.u32 $0xFF, v3  }
0x1e6: {  	v3 =	vxor.u32 $0x80, v3;
	[tilespmem:s25+$0xFFFFFFA0] =	vst v1  }
0x1e7: {  	v1 =	vand.u32 $0xFF, v2;
	v2 =	vld [tilespmem:s16+$0xFFFFFFB0]  }
0x1e8: {  	v1 =	vxor.u32 $0x80, v1  }
0x1e9: {  	v0 =	vand.u32 $0xFF, v0  }
0x1ea: {  	v0 =	vxor.u32 $0x80, v0  }
0x1eb: {  	s30 =	simm.s32 $0x380;
	v3 =	vld.idx.msk [tilespmem:v3+s3+$0x0], $0xffff  }
0x1ec: {  	v4 =	vld [tilespmem:s30+$0x0];
	v2 =	vand.u32 $0xFF, v2  }
0x1ed: {  	v1 =	vld.idx.msk [tilespmem:v1+s3+$0x0], $0xffff;
	v2 =	vxor.u32 $0x80, v2;
	_ =	sdelay $0x1  }
0x1ee: {  	v0 =	vld.idx.msk [tilespmem:v0+s3+$0x0], $0xffff  }
0x1ef: {  	v5 =	vld [tilespmem:s30+$0xFFFFFF80];
	[tilespmem:s26+$0xFFFFFF90] =	vst v3  }
0x1f0: {  	v3 =	vand.u32 $0xFF, v4;
	v4 =	vld [tilespmem:s28+$0xFFFFFFA0]  }
0x1f1: {  	v3 =	vxor.u32 $0x80, v3;
	[tilespmem:s26+$0x10] =	vst v1;
	v1 =	vld.idx.msk [tilespmem:v2+s3+$0x0], $0xffff  }
0x1f2: {  	v2 =	vld [tilespmem:s28+$0x20]  }
0x1f3: {  	[tilespmem:s25+$0x30] =	vst v0  }
0x1f4: {  	v0 =	vand.u32 $0xFF, v5;
	v5 =	vld [tilespmem:s16+$0x40]  }
0x1f5: {  	v4 =	vand.u32 $0xFF, v4;
	v0 =	vxor.u32 $0x80, v0  }
0x1f6: {  	v3 =	vld.idx.msk [tilespmem:v3+s3+$0x0], $0xffff;
	v4 =	vxor.u32 $0x80, v4  }
0x1f7: {  	v2 =	vand.u32 $0xFF, v2  }
0x1f8: {  	[tilespmem:s25+$0xFFFFFFB0] =	vst v1;
	v1 =	vxor.u32 $0x80, v2  }
0x1f9: {  	v2 =	vld [tilespmem:s16+$0xFFFFFFC0];
	v5 =	vand.u32 $0xFF, v5  }
0x1fa: {  	s29 =	simm.s32 $0xCB80;
	v0 =	vld.idx.msk [tilespmem:v0+s3+$0x0], $0xffff;
	v5 =	vxor.u32 $0x80, v5  }
0x1fb: {  	[tilespmem:s29+$0x0] =	vst v3;
	v3 =	vld.idx.msk [tilespmem:v4+s3+$0x0], $0xffff  }
0x1fc: {  	v4 =	vld [tilespmem:s30+$0x10]  }
0x1fd: {  	v1 =	vld.idx.msk [tilespmem:v1+s3+$0x0], $0xffff  }
0x1fe: {  	v2 =	vand.u32 $0xFF, v2  }
0x1ff: {  	v2 =	vxor.u32 $0x80, v2;
	[tilespmem:s29+$0xFFFFFF80] =	vst v0;
	v0 =	vld.idx.msk [tilespmem:v5+s3+$0x0], $0xffff  }
0x200: {  	v5 =	vld [tilespmem:s30+$0xFFFFFF90]  }
0x201: {  	[tilespmem:s26+$0xFFFFFFA0] =	vst v3  }
0x202: {  	v3 =	vand.u32 $0xFF, v4;
	v4 =	vld [tilespmem:s28+$0xFFFFFFB0];
	[tilespmem:s26+$0x20] =	vst v1  }
0x203: {  	v1 =	vld [tilespmem:s28+$0x30]  }
0x204: {  	v3 =	vxor.u32 $0x80, v3;
	v2 =	vld.idx.msk [tilespmem:v2+s3+$0x0], $0xffff  }
0x205: {  	v5 =	vand.u32 $0xFF, v5;
	[tilespmem:s25+$0x40] =	vst v0  }
0x206: {  	v0 =	vxor.u32 $0x80, v5;
	v5 =	vld [tilespmem:s16+$0x50];
	_ =	sdelay $0x1  }
0x207: {  	v1 =	vand.u32 $0xFF, v1  }
0x208: {  	v4 =	vand.u32 $0xFF, v4;
	v3 =	vld.idx.msk [tilespmem:v3+s3+$0x0], $0xffff;
	[tilespmem:s25+$0xFFFFFFC0] =	vst v2;
	v1 =	vxor.u32 $0x80, v1  }
0x209: {  	s0 =	simm.s32 $0x480;
	v4 =	vxor.u32 $0x80, v4;
	v2 =	vld [tilespmem:s16+$0xFFFFFFD0]  }
0x20a: {  	v6 =	vld [tilespmem:s0+$0x0];
	v5 =	vand.u32 $0xFF, v5  }
0x20b: {  	v0 =	vld.idx.msk [tilespmem:v0+s3+$0x0], $0xffff;
	v5 =	vxor.u32 $0x80, v5  }
0x20c: {  	v7 =	vld [tilespmem:s0+$0xFFFFFF80]  }
0x20d: {  	v1 =	vld.idx.msk [tilespmem:v1+s3+$0x0], $0xffff  }
0x20e: {  	[tilespmem:s29+$0x10] =	vst v3;
	v3 =	vld.idx.msk [tilespmem:v4+s3+$0x0], $0xffff;
	v2 =	vand.u32 $0xFF, v2  }
0x20f: {  	v4 =	vld [tilespmem:s30+$0x20];
	v2 =	vxor.u32 $0x80, v2  }
0x210: {  	v6 =	vand.u32 $0xFF, v6;
	[tilespmem:s29+$0xFFFFFF90] =	vst v0;
	v0 =	vld.idx.msk [tilespmem:v5+s3+$0x0], $0xffff  }
0x211: {  	v5 =	vxor.u32 $0x80, v6;
	v6 =	vld [tilespmem:s30+$0xFFFFFFA0]  }
0x212: {  	[tilespmem:s26+$0x30] =	vst v1  }
0x213: {  	v1 =	vand.u32 $0xFF, v7;
	v7 =	vld [tilespmem:s28+$0x40]  }
0x214: {  	[tilespmem:s26+$0xFFFFFFB0] =	vst v3;
	v3 =	vand.u32 $0xFF, v4;
	v2 =	vld.idx.msk [tilespmem:v2+s3+$0x0], $0xffff;
	v1 =	vxor.u32 $0x80, v1  }
0x215: {  	v4 =	vld [tilespmem:s28+$0xFFFFFFC0];
	v3 =	vxor.u32 $0x80, v3  }
0x216: {  	v5 =	vld.idx.msk [tilespmem:v5+s3+$0x0], $0xffff;
	v6 =	vand.u32 $0xFF, v6;
	[tilespmem:s25+$0x50] =	vst v0  }
0x217: {  	v0 =	vxor.u32 $0x80, v6;
	v6 =	vld [tilespmem:s16+$0x60]  }
0x218: {  	v7 =	vand.u32 $0xFF, v7  }
0x219: {  	v1 =	vld.idx.msk [tilespmem:v1+s3+$0x0], $0xffff;
	[tilespmem:s25+$0xFFFFFFD0] =	vst v2;
	v2 =	vxor.u32 $0x80, v7  }
0x21a: {  	v4 =	vand.u32 $0xFF, v4;
	v3 =	vld.idx.msk [tilespmem:v3+s3+$0x0], $0xffff  }
0x21b: {  	s31 =	simm.s32 $0xCC80;
	v4 =	vxor.u32 $0x80, v4;
	v7 =	vld [tilespmem:s16+$0xFFFFFFE0]  }
0x21c: {  	[tilespmem:s31+$0x0] =	vst v5;
	v0 =	vld.idx.msk [tilespmem:v0+s3+$0x0], $0xffff;
	v5 =	vand.u32 $0xFF, v6  }
0x21d: {  	v6 =	vld [tilespmem:s0+$0x10];
	v5 =	vxor.u32 $0x80, v5  }
0x21e: {  	[tilespmem:s31+$0xFFFFFF80] =	vst v1;
	v1 =	vld.idx.msk [tilespmem:v2+s3+$0x0], $0xffff  }
0x21f: {  	v2 =	vld [tilespmem:s0+$0xFFFFFF90]  }
0x220: {  	[tilespmem:s29+$0x20] =	vst v3;
	v3 =	vld.idx.msk [tilespmem:v4+s3+$0x0], $0xffff;
	v7 =	vand.u32 $0xFF, v7  }
0x221: {  	v4 =	vxor.u32 $0x80, v7;
	v7 =	vld [tilespmem:s30+$0x30]  }
0x222: {  	v6 =	vand.u32 $0xFF, v6;
	[tilespmem:s29+$0xFFFFFFA0] =	vst v0;
	v0 =	vld.idx.msk [tilespmem:v5+s3+$0x0], $0xffff  }
0x223: {  	v5 =	vxor.u32 $0x80, v6;
	v6 =	vld [tilespmem:s30+$0xFFFFFFB0]  }
0x224: {  	v2 =	vand.u32 $0xFF, v2;
	[tilespmem:s26+$0x40] =	vst v1  }
0x225: {  	v1 =	vxor.u32 $0x80, v2;
	v2 =	vld [tilespmem:s28+$0x50]  }
0x226: {  	s2 =	simm.s32 $0x580  }
0x227: {  	v8 =	vld [tilespmem:s2+$0x0];
	[tilespmem:s26+$0xFFFFFFC0] =	vst v3;
	v7 =	vand.u32 $0xFF, v7  }
0x228: {  	v3 =	vxor.u32 $0x80, v7;
	v7 =	vld [tilespmem:s28+$0xFFFFFFD0];
	v6 =	vand.u32 $0xFF, v6  }
0x229: {  	v5 =	vld.idx.msk [tilespmem:v5+s3+$0x0], $0xffff;
	[tilespmem:s25+$0x60] =	vst v0;
	v0 =	vxor.u32 $0x80, v6  }
0x22a: {  	v2 =	vand.u32 $0xFF, v2;
	v6 =	vld [tilespmem:s16+$0x70]  }
0x22b: {  	v1 =	vld.idx.msk [tilespmem:v1+s3+$0x0], $0xffff;
	v2 =	vxor.u32 $0x80, v2  }
0x22c: {  	v57 =	vld [tilespmem:s2+$0xFFFFFF80]  }
0x22d: {  	v3 =	vld.idx.msk [tilespmem:v3+s3+$0x0], $0xffff;
	v7 =	vand.u32 $0xFF, v7  }
0x22e: {  	v7 =	vxor.u32 $0x80, v7;
	[tilespmem:s31+$0x10] =	vst v5;
	v0 =	vld.idx.msk [tilespmem:v0+s3+$0x0], $0xffff  }
0x22f: {  	v8 =	vand.u32 $0xFF, v8;
	v5 =	vand.u32 $0xFF, v6;
	v6 =	vld [tilespmem:s0+$0x20]  }
0x230: {  	[tilespmem:s31+$0xFFFFFF90] =	vst v1;
	v1 =	vld.idx.msk [tilespmem:v2+s3+$0x0], $0xffff;
	v2 =	vxor.u32 $0x80, v8  }
0x231: {  	v4 =	vld.idx.msk [tilespmem:v4+s3+$0x0], $0xffff  }
0x232: {  	v8 =	vld [tilespmem:s0+$0xFFFFFFA0];
	v5 =	vxor.u32 $0x80, v5  }
0x233: {  	v9 =	vand.u32 $0xFF, v57;
	[tilespmem:s29+$0x30] =	vst v3;
	v3 =	vld.idx.msk [tilespmem:v7+s3+$0x0], $0xffff  }
0x234: {  	v7 =	vxor.u32 $0x80, v9;
	v58 =	vld [tilespmem:s30+$0x40]  }
0x235: {  	v6 =	vand.u32 $0xFF, v6;
	[tilespmem:s29+$0xFFFFFFB0] =	vst v0;
	v2 =	vld.idx.msk [tilespmem:v2+s3+$0x0], $0xffff  }
0x236: {  	v0 =	vxor.u32 $0x80, v6;
	v6 =	vld [tilespmem:s30+$0xFFFFFFC0]  }
0x237: {  	v8 =	vand.u32 $0xFF, v8;
	[tilespmem:s26+$0x50] =	vst v1;
	v5 =	vld.idx.msk [tilespmem:v5+s3+$0x0], $0xffff  }
0x238: {  	v1 =	vxor.u32 $0x80, v8;
	v8 =	vld [tilespmem:s28+$0x60]  }
0x239: {  	v7 =	vld.idx.msk [tilespmem:v7+s3+$0x0], $0xffff;
	v9 =	vand.u32 $0xFF, v58;
	[tilespmem:s26+$0xFFFFFFD0] =	vst v3  }
0x23a: {  	v3 =	vxor.u32 $0x80, v9;
	v59 =	vld [tilespmem:s28+$0xFFFFFFE0]  }
0x23b: {  	[tilespmem:s25+$0xFFFFFFE0] =	vst v4;
	v0 =	vld.idx.msk [tilespmem:v0+s3+$0x0], $0xffff;
	v4 =	vand.u32 $0xFF, v6  }
0x23c: {  	s1 =	simm.s32 $0xCD80;
	v6 =	vld [tilespmem:s16+$0xFFFFFFF0];
	v4 =	vxor.u32 $0x80, v4  }
0x23d: {  	[tilespmem:s1+$0x0] =	vst v2;
	v1 =	vld.idx.msk [tilespmem:v1+s3+$0x0], $0xffff;
	v2 =	vand.u32 $0xFF, v8  }
0x23e: {  	v8 =	vld [tilespmem:s2+$0x10];
	v2 =	vxor.u32 $0x80, v2  }
0x23f: {  	[tilespmem:s1+$0xFFFFFF80] =	vst v7;
	v3 =	vld.idx.msk [tilespmem:v3+s3+$0x0], $0xffff;
	v7 =	vand.u32 $0xFF, v59  }
0x240: {  	v60 =	vld [tilespmem:s2+$0xFFFFFF90];
	v7 =	vxor.u32 $0x80, v7  }
0x241: {  	[tilespmem:s31+$0x20] =	vst v0;
	v0 =	vld.idx.msk [tilespmem:v4+s3+$0x0], $0xffff;
	v4 =	vand.u32 $0xFF, v6  }
0x242: {  	v61 =	vld [tilespmem:s0+$0x30];
	v4 =	vxor.u32 $0x80, v4  }
0x243: {  	[tilespmem:s31+$0xFFFFFFA0] =	vst v1;
	v6 =	vand.u32 $0xFF, v8;
	v1 =	vld.idx.msk [tilespmem:v2+s3+$0x0], $0xffff  }
0x244: {  	v8 =	vld [tilespmem:s0+$0xFFFFFFB0];
	v6 =	vxor.u32 $0x80, v6  }
0x245: {  	v2 =	vand.u32 $0xFF, v60;
	[tilespmem:s29+$0x40] =	vst v3;
	v62 =	vld.idx.msk [tilespmem:v7+s3+$0x0], $0xffff  }
0x246: {  	v3 =	vxor.u32 $0x80, v2;
	v63 =	vld [tilespmem:s30+$0x50]  }
0x247: {  	[tilespmem:s29+$0xFFFFFFC0] =	vst v0;
	v0 =	vld.idx.msk [tilespmem:v4+s3+$0x0], $0xffff;
	v4 =	vand.u32 $0xFF, v61  }
0x248: {  	[tilespmem:s25+$0x70] =	vst v5;
	v2 =	vld [tilespmem:s30+$0xFFFFFFD0];
	v5 =	vxor.u32 $0x80, v4  }
0x249: {  	[tilespmem:s26+$0x60] =	vst v1;
	v7 =	vand.u32 $0xFF, v8;
	v6 =	vld.idx.msk [tilespmem:v6+s3+$0x0], $0xffff  }
0x24a: {  	v1 =	vld [tilespmem:s28+$0x70];
	v4 =	vxor.u32 $0x80, v7  }
0x24b: {  	s17 =	simm.s32 $0x680;
	s16 =	simm.s32 $0x8;
	[tilespmem:s26+$0xFFFFFFE0] =	vst v62;
	v7 =	vld.idx.msk [tilespmem:v3+s3+$0x0], $0xffff;
	v3 =	vand.u32 $0xFF, v63  }
.LBB2_6:
0x24c: {  	v8 =	vld [tilespmem:s17+$0x0];
	s16 =	sadd.s32 $0x2, s16;
	v3 =	vxor.u32 $0x80, v3  }
0x24d: {  	p0 =	slt.u32 s16, $0xC6;
	v5 =	vld.idx.msk [tilespmem:v5+s3+$0x0], $0xffff;
	v2 =	vand.u32 $0xFF, v2;
	[tilespmem:s25+$0xFFFFFFF0] =	vst v0;
	s25 =	smov.u32 s26;
	s26 =	smov.u32 s29  }
0x24e: {  	s29 =	smov.u32 s31;
	s31 =	smov.u32 s1;
	v0 =	vld [tilespmem:s17+$0xFFFFFF80];
	v2 =	vxor.u32 $0x80, v2  }
0x24f: {  	[tilespmem:s1+$0x10] =	vst v6;
	v4 =	vld.idx.msk [tilespmem:v4+s3+$0x0], $0xffff;
	v1 =	vand.u32 $0xFF, v1  }
0x250: {  	v6 =	vld [tilespmem:s2+$0x20];
	v1 =	vxor.u32 $0x80, v1  }
0x251: {  	v8 =	vand.u32 $0xFF, v8;
	[tilespmem:s1+$0xFFFFFF90] =	vst v7;
	v3 =	vld.idx.msk [tilespmem:v3+s3+$0x0], $0xffff  }
0x252: {  	v7 =	vxor.u32 $0x80, v8;
	v8 =	vld [tilespmem:s2+$0xFFFFFFA0]  }
0x253: {  	v0 =	vand.u32 $0xFF, v0;
	[tilespmem:s29+$0x30] =	vst v5;
	v2 =	vld.idx.msk [tilespmem:v2+s3+$0x0], $0xffff  }
0x254: {  	v0 =	vxor.u32 $0x80, v0;
	v5 =	vld [tilespmem:s0+$0x40]  }
0x255: {  	v6 =	vand.u32 $0xFF, v6;
	[tilespmem:s29+$0xFFFFFFB0] =	vst v4;
	v1 =	vld.idx.msk [tilespmem:v1+s3+$0x0], $0xffff  }
0x256: {  	v4 =	vxor.u32 $0x80, v6;
	v6 =	vld [tilespmem:s0+$0xFFFFFFC0]  }
0x257: {  	v7 =	vld.idx.msk [tilespmem:v7+s3+$0x0], $0xffff;
	v8 =	vand.u32 $0xFF, v8;
	[tilespmem:s26+$0x50] =	vst v3  }
0x258: {  	v3 =	vxor.u32 $0x80, v8;
	v8 =	vld [tilespmem:s30+$0x60]  }
0x259: {  	v0 =	vld.idx.msk [tilespmem:v0+s3+$0x0], $0xffff;
	v5 =	vand.u32 $0xFF, v5;
	[tilespmem:s26+$0xFFFFFFD0] =	vst v2  }
0x25a: {  	v2 =	vxor.u32 $0x80, v5;
	v5 =	vld [tilespmem:s30+$0xFFFFFFE0]  }
0x25b: {  	v4 =	vld.idx.msk [tilespmem:v4+s3+$0x0], $0xffff;
	v6 =	vand.u32 $0xFF, v6;
	[tilespmem:s25+$0x70] =	vst v1  }
0x25c: {  	s1 =	sadd.s32 $0x100, s1;
	v1 =	vxor.u32 $0x80, v6;
	v6 =	vld [tilespmem:s28+$0xFFFFFFF0];
	s28 =	smov.u32 s30;
	s30 =	smov.u32 s0  }
0x25d: {  	s0 =	smov.u32 s2;
	s2 =	smov.u32 s17;
	[tilespmem:s1+$0x0] =	vst v7;
	v3 =	vld.idx.msk [tilespmem:v3+s3+$0x0], $0xffff;
	v7 =	vand.u32 $0xFF, v8  }
0x25e: {  	v8 =	vld [tilespmem:s17+$0x10];
	v7 =	vxor.u32 $0x80, v7  }
0x25f: {  	[tilespmem:s1+$0xFFFFFF80] =	vst v0;
	v0 =	vld.idx.msk [tilespmem:v2+s3+$0x0], $0xffff;
	v2 =	vand.u32 $0xFF, v5  }
0x260: {  	v5 =	vld [tilespmem:s17+$0xFFFFFF90];
	v2 =	vxor.u32 $0x80, v2  }
0x261: {  	[tilespmem:s31+$0x20] =	vst v4;
	v1 =	vld.idx.msk [tilespmem:v1+s3+$0x0], $0xffff;
	v4 =	vand.u32 $0xFF, v6  }
0x262: {  	v6 =	vld [tilespmem:s0+$0x30];
	v4 =	vxor.u32 $0x80, v4  }
0x263: {  	v8 =	vand.u32 $0xFF, v8;
	[tilespmem:s31+$0xFFFFFFA0] =	vst v3;
	v3 =	vld.idx.msk [tilespmem:v7+s3+$0x0], $0xffff  }
0x264: {  	v7 =	vxor.u32 $0x80, v8;
	v8 =	vld [tilespmem:s0+$0xFFFFFFB0]  }
0x265: {  	v5 =	vand.u32 $0xFF, v5;
	[tilespmem:s29+$0x40] =	vst v0;
	v9 =	vld.idx.msk [tilespmem:v2+s3+$0x0], $0xffff  }
0x266: {  	v10 =	vxor.u32 $0x80, v5;
	v11 =	vld [tilespmem:s30+$0x50]  }
.Ltmp2:
0x267: {  	v2 =	vand.u32 $0xFF, v6;
	[tilespmem:s29+$0xFFFFFFC0] =	vst v1;
	v0 =	vld.idx.msk [tilespmem:v4+s3+$0x0], $0xffff;
	(pc) =	sbr.rel @p0 .LBB2_6-.Ltmp2, $4  }
0x268: {  	v5 =	vxor.u32 $0x80, v2;
	v2 =	vld [tilespmem:s30+$0xFFFFFFD0]  }
0x269: {  	v6 =	vld.idx.msk [tilespmem:v7+s3+$0x0], $0xffff;
	v1 =	vand.u32 $0xFF, v8;
	[tilespmem:s26+$0x60] =	vst v3  }
0x26a: {  	v4 =	vxor.u32 $0x80, v1;
	v1 =	vld [tilespmem:s28+$0x70]  }
0x26b: {  	s17 =	sadd.s32 $0x100, s17;
	v7 =	vld.idx.msk [tilespmem:v10+s3+$0x0], $0xffff;
	v3 =	vand.u32 $0xFF, v11;
	[tilespmem:s26+$0xFFFFFFE0] =	vst v9  }
0x26c: {  	_ =	sdelay $0x2  }
0x26d: {  	[tilespmem:s1+$0x10] =	vst v6  }
0x26e: {  	v6 =	vld [tilespmem:s2+$0x20];
	[tilespmem:s1+$0xFFFFFF90] =	vst v7  }
0x26f: {  	v7 =	vld [tilespmem:s2+$0xFFFFFFA0];
	_ =	sdelay $0x3  }
0x270: {  	v6 =	vand.u32 $0xFF, v6  }
0x271: {  	v6 =	vxor.u32 $0x80, v6;
	v7 =	vand.u32 $0xFF, v7  }
0x272: {  	v7 =	vxor.u32 $0x80, v7;
	_ =	sdelay $0x3  }
0x273: {  	v6 =	vld.idx.msk [tilespmem:v6+s3+$0x0], $0xffff  }
0x274: {  	v7 =	vld.idx.msk [tilespmem:v7+s3+$0x0], $0xffff;
	_ =	sdelay $0x3  }
0x275: {  	[tilespmem:s1+$0x20] =	vst v6  }
0x276: {  	v6 =	vld [tilespmem:s2+$0x30];
	[tilespmem:s1+$0xFFFFFFA0] =	vst v7  }
0x277: {  	v7 =	vld [tilespmem:s2+$0xFFFFFFB0];
	_ =	sdelay $0x3  }
0x278: {  	v6 =	vand.u32 $0xFF, v6  }
0x279: {  	v6 =	vxor.u32 $0x80, v6;
	v7 =	vand.u32 $0xFF, v7  }
0x27a: {  	v7 =	vxor.u32 $0x80, v7  }
0x27b: {  	v5 =	vld.idx.msk [tilespmem:v5+s3+$0x0], $0xffff  }
0x27c: {  	v4 =	vld.idx.msk [tilespmem:v4+s3+$0x0], $0xffff;
	_ =	sdelay $0x1  }
0x27d: {  	v6 =	vld.idx.msk [tilespmem:v6+s3+$0x0], $0xffff  }
0x27e: {  	v7 =	vld.idx.msk [tilespmem:v7+s3+$0x0], $0xffff  }
0x27f: {  	[tilespmem:s31+$0x30] =	vst v5  }
0x280: {  	[tilespmem:s31+$0xFFFFFFB0] =	vst v4;
	v5 =	vld [tilespmem:s0+$0x40]  }
0x281: {  	v4 =	vld [tilespmem:s0+$0xFFFFFFC0]  }
0x282: {  	[tilespmem:s1+$0x30] =	vst v6  }
0x283: {  	v6 =	vld [tilespmem:s2+$0x40];
	[tilespmem:s1+$0xFFFFFFB0] =	vst v7  }
0x284: {  	v7 =	vld [tilespmem:s2+$0xFFFFFFC0]  }
0x285: {  	v5 =	vand.u32 $0xFF, v5  }
0x286: {  	v4 =	vand.u32 $0xFF, v4;
	v5 =	vxor.u32 $0x80, v5  }
0x287: {  	v4 =	vxor.u32 $0x80, v4  }
0x288: {  	v6 =	vand.u32 $0xFF, v6  }
0x289: {  	v6 =	vxor.u32 $0x80, v6;
	v7 =	vand.u32 $0xFF, v7  }
0x28a: {  	v7 =	vxor.u32 $0x80, v7  }
0x28b: {  	v5 =	vld.idx.msk [tilespmem:v5+s3+$0x0], $0xffff  }
0x28c: {  	v4 =	vld.idx.msk [tilespmem:v4+s3+$0x0], $0xffff;
	_ =	sdelay $0x1  }
0x28d: {  	v6 =	vld.idx.msk [tilespmem:v6+s3+$0x0], $0xffff  }
0x28e: {  	v7 =	vld.idx.msk [tilespmem:v7+s3+$0x0], $0xffff  }
0x28f: {  	[tilespmem:s31+$0x40] =	vst v5  }
0x290: {  	[tilespmem:s31+$0xFFFFFFC0] =	vst v4;
	v5 =	vld [tilespmem:s0+$0x50]  }
0x291: {  	v2 =	vand.u32 $0xFF, v2;
	v4 =	vld [tilespmem:s0+$0xFFFFFFD0]  }
0x292: {  	v2 =	vxor.u32 $0x80, v2;
	[tilespmem:s1+$0x40] =	vst v6  }
0x293: {  	v6 =	vld [tilespmem:s2+$0x50];
	[tilespmem:s1+$0xFFFFFFC0] =	vst v7  }
0x294: {  	v7 =	vld [tilespmem:s2+$0xFFFFFFD0]  }
0x295: {  	v3 =	vxor.u32 $0x80, v3;
	v5 =	vand.u32 $0xFF, v5  }
0x296: {  	v4 =	vand.u32 $0xFF, v4;
	v5 =	vxor.u32 $0x80, v5  }
0x297: {  	v2 =	vld.idx.msk [tilespmem:v2+s3+$0x0], $0xffff;
	v4 =	vxor.u32 $0x80, v4  }
0x298: {  	v6 =	vand.u32 $0xFF, v6  }
0x299: {  	v6 =	vxor.u32 $0x80, v6;
	v7 =	vand.u32 $0xFF, v7  }
0x29a: {  	v3 =	vld.idx.msk [tilespmem:v3+s3+$0x0], $0xffff;
	v7 =	vxor.u32 $0x80, v7  }
0x29b: {  	v5 =	vld.idx.msk [tilespmem:v5+s3+$0x0], $0xffff  }
0x29c: {  	[tilespmem:s29+$0xFFFFFFD0] =	vst v2;
	v4 =	vld.idx.msk [tilespmem:v4+s3+$0x0], $0xffff  }
0x29d: {  	v2 =	vld [tilespmem:s30+$0xFFFFFFE0]  }
0x29e: {  	v6 =	vld.idx.msk [tilespmem:v6+s3+$0x0], $0xffff  }
0x29f: {  	[tilespmem:s29+$0x50] =	vst v3;
	v3 =	vld.idx.msk [tilespmem:v7+s3+$0x0], $0xffff  }
0x2a0: {  	[tilespmem:s31+$0x50] =	vst v5;
	v7 =	vld [tilespmem:s30+$0x60]  }
0x2a1: {  	[tilespmem:s31+$0xFFFFFFD0] =	vst v4;
	v5 =	vld [tilespmem:s0+$0x60]  }
0x2a2: {  	v2 =	vand.u32 $0xFF, v2;
	v4 =	vld [tilespmem:s0+$0xFFFFFFE0]  }
0x2a3: {  	v2 =	vxor.u32 $0x80, v2;
	[tilespmem:s1+$0x50] =	vst v6  }
0x2a4: {  	v6 =	vld [tilespmem:s2+$0x60];
	[tilespmem:s1+$0xFFFFFFD0] =	vst v3  }
0x2a5: {  	v3 =	vand.u32 $0xFF, v7;
	v7 =	vld [tilespmem:s2+$0xFFFFFFE0]  }
0x2a6: {  	v5 =	vand.u32 $0xFF, v5;
	v3 =	vxor.u32 $0x80, v3  }
0x2a7: {  	v4 =	vand.u32 $0xFF, v4;
	v5 =	vxor.u32 $0x80, v5  }
0x2a8: {  	v2 =	vld.idx.msk [tilespmem:v2+s3+$0x0], $0xffff;
	v4 =	vxor.u32 $0x80, v4  }
0x2a9: {  	v6 =	vand.u32 $0xFF, v6  }
0x2aa: {  	v8 =	vld [tilespmem:s28+$0xFFFFFFF0];
	v6 =	vxor.u32 $0x80, v6;
	v7 =	vand.u32 $0xFF, v7  }
0x2ab: {  	v3 =	vld.idx.msk [tilespmem:v3+s3+$0x0], $0xffff;
	v7 =	vxor.u32 $0x80, v7  }
0x2ac: {  	v5 =	vld.idx.msk [tilespmem:v5+s3+$0x0], $0xffff  }
0x2ad: {  	[tilespmem:s29+$0xFFFFFFE0] =	vst v2;
	v4 =	vld.idx.msk [tilespmem:v4+s3+$0x0], $0xffff  }
0x2ae: {  	v2 =	vld [tilespmem:s30+$0xFFFFFFF0]  }
0x2af: {  	v6 =	vld.idx.msk [tilespmem:v6+s3+$0x0], $0xffff  }
0x2b0: {  	[tilespmem:s29+$0x60] =	vst v3;
	v3 =	vld.idx.msk [tilespmem:v7+s3+$0x0], $0xffff  }
0x2b1: {  	[tilespmem:s31+$0x60] =	vst v5;
	v7 =	vld [tilespmem:s30+$0x70]  }
0x2b2: {  	[tilespmem:s31+$0xFFFFFFE0] =	vst v4;
	v5 =	vld [tilespmem:s0+$0x70]  }
0x2b3: {  	v1 =	vand.u32 $0xFF, v1;
	v4 =	vld [tilespmem:s0+$0xFFFFFFF0]  }
0x2b4: {  	v1 =	vxor.u32 $0x80, v1;
	[tilespmem:s1+$0x60] =	vst v6  }
0x2b5: {  	v6 =	vand.u32 $0xFF, v8;
	v8 =	vld [tilespmem:s2+$0x70];
	[tilespmem:s1+$0xFFFFFFE0] =	vst v3  }
0x2b6: {  	v2 =	vand.u32 $0xFF, v2;
	v3 =	vxor.u32 $0x80, v6;
	v6 =	vand.u32 $0xFF, v7;
	v7 =	vld [tilespmem:s2+$0xFFFFFFF0]  }
0x2b7: {  	v2 =	vxor.u32 $0x80, v2;
	v5 =	vand.u32 $0xFF, v5  }
0x2b8: {  	v4 =	vand.u32 $0xFF, v4;
	v5 =	vxor.u32 $0x80, v5  }
0x2b9: {  	v1 =	vld.idx.msk [tilespmem:v1+s3+$0x0], $0xffff;
	v4 =	vxor.u32 $0x80, v4  }
0x2ba: {  	v6 =	vxor.u32 $0x80, v6;
	v8 =	vand.u32 $0xFF, v8  }
0x2bb: {  	v3 =	vld.idx.msk [tilespmem:v3+s3+$0x0], $0xffff;
	v8 =	vxor.u32 $0x80, v8;
	v7 =	vand.u32 $0xFF, v7  }
0x2bc: {  	v2 =	vld.idx.msk [tilespmem:v2+s3+$0x0], $0xffff;
	v7 =	vxor.u32 $0x80, v7  }
0x2bd: {  	[tilespmem:s25+$0xFFFFFFF0] =	vst v0;
	v0 =	vld.idx.msk [tilespmem:v5+s3+$0x0], $0xffff  }
0x2be: {  	[tilespmem:s26+$0x70] =	vst v1;
	v1 =	vld.idx.msk [tilespmem:v4+s3+$0x0], $0xffff  }
0x2bf: {  	v6 =	vld.idx.msk [tilespmem:v6+s3+$0x0], $0xffff  }
0x2c0: {  	[tilespmem:s26+$0xFFFFFFF0] =	vst v3;
	v3 =	vld.idx.msk [tilespmem:v8+s3+$0x0], $0xffff  }
0x2c1: {  	[tilespmem:s29+$0xFFFFFFF0] =	vst v2;
	v4 =	vld.idx.msk [tilespmem:v7+s3+$0x0], $0xffff  }
0x2c2: {  	[tilespmem:s31+$0x70] =	vst v0  }
0x2c3: {  	[tilespmem:s31+$0xFFFFFFF0] =	vst v1  }
0x2c4: {  	[tilespmem:s29+$0x70] =	vst v6  }
0x2c5: {  	[tilespmem:s1+$0x70] =	vst v3  }
0x2c6: {  	[tilespmem:s1+$0xFFFFFFF0] =	vst v4  }
0x2c7: {  	[hbm4b:s10+s14] =	stream.strided.scatter [tilespmem:s19], [sflag:$0x3], $0x6400, s15, s14, $0x38;
	[tilespmem:$0x19100] =	vst v63  }
0x2c8: {  	_ =	swait.ge [sflag:s20], $0x6400  }
0x2c9: {  	[sflag:s20] =	ssyncset.done $0x0  }
0x2ca: {  	[sflag:s20] =	ssyncadd.s32 $0xFFFF9C00  }
0x2cb: {  	_ =	swait.ge [sflag:s23], $0x6400  }
0x2cc: {  	[sflag:s23] =	ssyncset.done $0x0  }
0x2cd: {  	s0 =	simm.s32 $0x0;
	[sflag:s23] =	ssyncadd.s32 $0xFFFF9C00  }
0x2ce: {  	v0 =	vld [tilespmem:s0+$0x6580];
	_ =	sdelay $0x4  }
0x2cf: {  	v1 =	vld [tilespmem:s0+$0x6500];
	v0 =	vand.u32 $0xFF, v0  }
0x2d0: {  	v2 =	vld [tilespmem:s0+$0x6590];
	v0 =	vxor.u32 $0x80, v0;
	_ =	sdelay $0x2  }
0x2d1: {  	v3 =	vld [tilespmem:s0+$0x6510]  }
0x2d2: {  	v4 =	vld [tilespmem:s0+$0x65A0];
	v1 =	vand.u32 $0xFF, v1  }
0x2d3: {  	v2 =	vand.u32 $0xFF, v2;
	v1 =	vxor.u32 $0x80, v1;
	v0 =	vld.idx.msk [tilespmem:v0+s3+$0x0], $0xffff  }
0x2d4: {  	v5 =	vld [tilespmem:s0+$0x6520];
	v2 =	vxor.u32 $0x80, v2  }
0x2d5: {  	v6 =	vld [tilespmem:s0+$0x6530]  }
0x2d6: {  	v7 =	vld [tilespmem:s0+$0x6540]  }
0x2d7: {  	v8 =	vld [tilespmem:s0+$0x6550]  }
0x2d8: {  	v3 =	vand.u32 $0xFF, v3;
	v1 =	vld.idx.msk [tilespmem:v1+s3+$0x0], $0xffff;
	[tilespmem:s0+$0x12D80] =	vst v0  }
0x2d9: {  	v3 =	vxor.u32 $0x80, v3;
	v0 =	vld.idx.msk [tilespmem:v2+s3+$0x0], $0xffff;
	v2 =	vand.u32 $0xFF, v4  }
0x2da: {  	v4 =	vld [tilespmem:s0+$0x65B0];
	v2 =	vxor.u32 $0x80, v2  }
0x2db: {  	s25 =	simm.s32 $0x100;
	v9 =	vld [tilespmem:s0+$0x65C0]  }
0x2dc: {  	v10 =	vld [tilespmem:s25+$0x6510]  }
0x2dd: {  	v11 =	vld [tilespmem:s0+$0x65D0];
	[tilespmem:s0+$0x12D00] =	vst v1  }
0x2de: {  	v1 =	vand.u32 $0xFF, v5;
	v3 =	vld.idx.msk [tilespmem:v3+s3+$0x0], $0xffff;
	[tilespmem:s0+$0x12D90] =	vst v0  }
0x2df: {  	v1 =	vxor.u32 $0x80, v1;
	v4 =	vand.u32 $0xFF, v4;
	v2 =	vld.idx.msk [tilespmem:v2+s3+$0x0], $0xffff  }
0x2e0: {  	v12 =	vld [tilespmem:s25+$0x6520];
	v4 =	vxor.u32 $0x80, v4  }
0x2e1: {  	v13 =	vld [tilespmem:s25+$0x6530]  }
0x2e2: {  	v14 =	vld [tilespmem:s25+$0x6590]  }
0x2e3: {  	[tilespmem:s0+$0x12D10] =	vst v3;
	v3 =	vld [tilespmem:s25+$0x6580]  }
0x2e4: {  	v1 =	vld.idx.msk [tilespmem:v1+s3+$0x0], $0xffff;
	[tilespmem:s0+$0x12DA0] =	vst v2  }
0x2e5: {  	v2 =	vld.idx.msk [tilespmem:v4+s3+$0x0], $0xffff  }
0x2e6: {  	v4 =	vld [tilespmem:s25+$0x6500]  }
0x2e7: {  	s1 =	simm.s32 $0x200;
	v15 =	vld [tilespmem:s25+$0x65A0];
	v6 =	vand.u32 $0xFF, v6  }
0x2e8: {  	v16 =	vld [tilespmem:s1+$0x6530];
	v9 =	vand.u32 $0xFF, v9;
	v6 =	vxor.u32 $0x80, v6  }
0x2e9: {  	v17 =	vld [tilespmem:s1+$0x6590];
	v9 =	vxor.u32 $0x80, v9;
	v3 =	vand.u32 $0xFF, v3  }
0x2ea: {  	v63 =	vld [tilespmem:s1+$0x65B0];
	v3 =	vxor.u32 $0x80, v3  }
0x2eb: {  	v18 =	vld [tilespmem:s1+$0x6560];
	[tilespmem:s0+$0x12D20] =	vst v1;
	v4 =	vand.u32 $0xFF, v4  }
0x2ec: {  	v21 =	vld [tilespmem:s1+$0x6570];
	[tilespmem:s0+$0x12DB0] =	vst v2;
	v2 =	vxor.u32 $0x80, v4  }
0x2ed: {  	v6 =	vld.idx.msk [tilespmem:v6+s3+$0x0], $0xffff  }
0x2ee: {  	v4 =	vld.idx.msk [tilespmem:v9+s3+$0x0], $0xffff  }
0x2ef: {  	v3 =	vld.idx.msk [tilespmem:v3+s3+$0x0], $0xffff;
	v9 =	vand.u32 $0xFF, v11  }
0x2f0: {  	v14 =	vand.u32 $0xFF, v14;
	v11 =	vld [tilespmem:s0+$0x65E0];
	v9 =	vxor.u32 $0x80, v9  }
0x2f1: {  	v14 =	vxor.u32 $0x80, v14;
	v2 =	vld.idx.msk [tilespmem:v2+s3+$0x0], $0xffff  }
0x2f2: {  	v10 =	vand.u32 $0xFF, v10;
	v5 =	vld [tilespmem:s0+$0x6560]  }
0x2f3: {  	v7 =	vand.u32 $0xFF, v7;
	v0 =	vld [tilespmem:s0+$0x6570];
	[tilespmem:s0+$0x12DC0] =	vst v4;
	v4 =	vxor.u32 $0x80, v10  }
0x2f4: {  	v7 =	vxor.u32 $0x80, v7;
	v1 =	vld [tilespmem:s25+$0x6540];
	[tilespmem:s0+$0x12D30] =	vst v6  }
0x2f5: {  	[tilespmem:s25+$0x12D80] =	vst v3;
	v9 =	vld.idx.msk [tilespmem:v9+s3+$0x0], $0xffff  }
0x2f6: {  	v6 =	vand.u32 $0xFF, v11;
	[tilespmem:s25+$0x12D00] =	vst v2;
	v2 =	vld.idx.msk [tilespmem:v14+s3+$0x0], $0xffff  }
0x2f7: {  	v11 =	vand.u32 $0xFF, v15;
	v6 =	vxor.u32 $0x80, v6;
	v14 =	vld [tilespmem:s25+$0x65B0]  }
0x2f8: {  	v11 =	vxor.u32 $0x80, v11;
	v4 =	vld.idx.msk [tilespmem:v4+s3+$0x0], $0xffff  }
0x2f9: {  	v8 =	vand.u32 $0xFF, v8;
	v7 =	vld.idx.msk [tilespmem:v7+s3+$0x0], $0xffff  }
0x2fa: {  	v8 =	vxor.u32 $0x80, v8;
	v3 =	vld [tilespmem:s0+$0x65F0]  }
0x2fb: {  	v12 =	vand.u32 $0xFF, v12;
	v10 =	vld [tilespmem:s25+$0x6550];
	[tilespmem:s0+$0x12DD0] =	vst v9  }
0x2fc: {  	v9 =	vxor.u32 $0x80, v12;
	v6 =	vld.idx.msk [tilespmem:v6+s3+$0x0], $0xffff;
	[tilespmem:s25+$0x12D90] =	vst v2  }
0x2fd: {  	[tilespmem:s25+$0x12D10] =	vst v4;
	v2 =	vld.idx.msk [tilespmem:v11+s3+$0x0], $0xffff;
	v4 =	vand.u32 $0xFF, v14  }
0x2fe: {  	[tilespmem:s0+$0x12D40] =	vst v7;
	v15 =	vld [tilespmem:s1+$0x6520];
	v4 =	vxor.u32 $0x80, v4  }
0x2ff: {  	v7 =	vld.idx.msk [tilespmem:v8+s3+$0x0], $0xffff  }
0x300: {  	v11 =	vld [tilespmem:s25+$0x65C0]  }
0x301: {  	v9 =	vld.idx.msk [tilespmem:v9+s3+$0x0], $0xffff;
	[tilespmem:s0+$0x12DE0] =	vst v6  }
0x302: {  	v13 =	vand.u32 $0xFF, v13;
	v6 =	vld [tilespmem:s1+$0x6580];
	[tilespmem:s25+$0x12DA0] =	vst v2  }
0x303: {  	v13 =	vxor.u32 $0x80, v13;
	v5 =	vand.u32 $0xFF, v5;
	v2 =	vld.idx.msk [tilespmem:v4+s3+$0x0], $0xffff  }
0x304: {  	v5 =	vxor.u32 $0x80, v5;
	v4 =	vld [tilespmem:s1+$0x6500]  }
0x305: {  	v8 =	vld [tilespmem:s25+$0x6570];
	[tilespmem:s0+$0x12D50] =	vst v7;
	v7 =	vand.u32 $0xFF, v11  }
0x306: {  	v14 =	vld [tilespmem:s25+$0x65D0];
	v7 =	vxor.u32 $0x80, v7  }
0x307: {  	v12 =	vld [tilespmem:s25+$0x6560];
	v6 =	vand.u32 $0xFF, v6;
	[tilespmem:s25+$0x12D20] =	vst v9  }
0x308: {  	v1 =	vand.u32 $0xFF, v1;
	v6 =	vxor.u32 $0x80, v6;
	v13 =	vld.idx.msk [tilespmem:v13+s3+$0x0], $0xffff  }
0x309: {  	v1 =	vxor.u32 $0x80, v1;
	v5 =	vld.idx.msk [tilespmem:v5+s3+$0x0], $0xffff;
	v4 =	vand.u32 $0xFF, v4  }
0x30a: {  	v11 =	vld [tilespmem:s1+$0x6510];
	[tilespmem:s25+$0x12DB0] =	vst v2;
	v2 =	vxor.u32 $0x80, v4  }
0x30b: {  	v4 =	vld.idx.msk [tilespmem:v7+s3+$0x0], $0xffff;
	v7 =	vand.u32 $0xFF, v14  }
0x30c: {  	v14 =	vld [tilespmem:s25+$0x65E0];
	v7 =	vxor.u32 $0x80, v7  }
0x30d: {  	v3 =	vand.u32 $0xFF, v3;
	v6 =	vld.idx.msk [tilespmem:v6+s3+$0x0], $0xffff;
	[tilespmem:s25+$0x12D30] =	vst v13  }
0x30e: {  	v3 =	vxor.u32 $0x80, v3;
	v1 =	vld.idx.msk [tilespmem:v1+s3+$0x0], $0xffff  }
0x30f: {  	v17 =	vand.u32 $0xFF, v17;
	v2 =	vld.idx.msk [tilespmem:v2+s3+$0x0], $0xffff  }
0x310: {  	v17 =	vxor.u32 $0x80, v17;
	v11 =	vand.u32 $0xFF, v11;
	[tilespmem:s25+$0x12DC0] =	vst v4;
	v4 =	vld [tilespmem:s1+$0x65A0]  }
0x311: {  	v11 =	vxor.u32 $0x80, v11;
	v14 =	vand.u32 $0xFF, v14;
	v7 =	vld.idx.msk [tilespmem:v7+s3+$0x0], $0xffff  }
0x312: {  	[tilespmem:s1+$0x12D80] =	vst v6;
	v6 =	vld [tilespmem:s25+$0x65F0];
	v14 =	vxor.u32 $0x80, v14  }
0x313: {  	v10 =	vand.u32 $0xFF, v10;
	v3 =	vld.idx.msk [tilespmem:v3+s3+$0x0], $0xffff  }
0x314: {  	v9 =	vld [tilespmem:s1+$0x6540];
	[tilespmem:s1+$0x12D00] =	vst v2;
	v2 =	vxor.u32 $0x80, v10  }
0x315: {  	v10 =	vld.idx.msk [tilespmem:v17+s3+$0x0], $0xffff;
	v4 =	vand.u32 $0xFF, v4  }
0x316: {  	v15 =	vand.u32 $0xFF, v15;
	v11 =	vld.idx.msk [tilespmem:v11+s3+$0x0], $0xffff;
	v4 =	vxor.u32 $0x80, v4;
	[tilespmem:s25+$0x12DD0] =	vst v7  }
0x317: {  	v15 =	vxor.u32 $0x80, v15;
	[tilespmem:s25+$0x12D40] =	vst v1;
	v1 =	vand.u32 $0xFF, v6;
	v14 =	vld.idx.msk [tilespmem:v14+s3+$0x0], $0xffff  }
0x318: {  	v0 =	vand.u32 $0xFF, v0;
	v13 =	vld [tilespmem:s1+$0x6550];
	v19 =	vxor.u32 $0x80, v1  }
0x319: {  	v20 =	vxor.u32 $0x80, v0;
	v0 =	vand.u32 $0xFF, v12;
	[tilespmem:s0+$0x12DF0] =	vst v3;
	v6 =	vld.idx.msk [tilespmem:v2+s3+$0x0], $0xffff  }
0x31a: {  	v3 =	vand.u32 $0xFF, v9;
	v1 =	vxor.u32 $0x80, v0;
	[tilespmem:s1+$0x12D90] =	vst v10;
	v10 =	vld [tilespmem:s1+$0x65C0]  }
0x31b: {  	v9 =	vand.u32 $0xFF, v63;
	v3 =	vxor.u32 $0x80, v3;
	v0 =	vand.u32 $0xFF, v8;
	[tilespmem:s1+$0x12D10] =	vst v11;
	v7 =	vld.idx.msk [tilespmem:v4+s3+$0x0], $0xffff  }
0x31c: {  	v12 =	vxor.u32 $0x80, v9;
	v0 =	vxor.u32 $0x80, v0;
	v2 =	vand.u32 $0xFF, v16;
	v8 =	vld.idx.msk [tilespmem:v15+s3+$0x0], $0xffff;
	[tilespmem:s25+$0x12DE0] =	vst v14  }
0x31d: {  	[tilespmem:s0+$0x12D60] =	vst v5;
	v4 =	vxor.u32 $0x80, v2;
	v2 =	vand.u32 $0xFF, v13;
	v11 =	vand.u32 $0xFF, v18;
	v5 =	vld.idx.msk [tilespmem:v19+s3+$0x0], $0xffff  }
0x31e: {  	s16 =	simm.s32 $0xC00;
	s2 =	simm.s32 $0x4;
	v2 =	vxor.u32 $0x80, v2;
	v9 =	vxor.u32 $0x80, v11;
	v11 =	vand.u32 $0xFF, v21;
	[tilespmem:s25+$0x12D50] =	vst v6;
	v6 =	vld.idx.msk [tilespmem:v20+s3+$0x0], $0xffff  }
.LBB2_8:
0x31f: {  	s17 =	sshra.s32 s16, $0x2;
	v13 =	vxor.u32 $0x80, v11;
	v11 =	vld.idx.msk [tilespmem:v1+s3+$0x0], $0xffff;
	v1 =	vmov v9  }
0x320: {  	s2 =	sadd.s32 $0x2, s2;
	v9 =	vld [tilespmem:s17+$0x6580];
	[tilespmem:s1+$0x12DA0] =	vst v7  }
0x321: {  	p0 =	slt.u32 s2, $0xC6;
	[tilespmem:s1+$0x12D20] =	vst v8;
	v7 =	vld.idx.msk [tilespmem:v12+s3+$0x0], $0xffff  }
0x322: {  	v10 =	vand.u32 $0xFF, v10;
	v8 =	vld [tilespmem:s17+$0x6500]  }
0x323: {  	v10 =	vxor.u32 $0x80, v10;
	v12 =	vld [tilespmem:s17+$0x6510];
	[tilespmem:s25+$0x12DF0] =	vst v5  }
0x324: {  	v5 =	vld [tilespmem:s1+$0x65D0];
	[tilespmem:s0+$0x12D70] =	vst v6;
	s0 =	smov.u32 s25;
	s25 =	smov.u32 s1;
	s1 =	smov.u32 s17  }
0x325: {  	v6 =	vld [tilespmem:s1+$0x6520];
	[tilespmem:s0+$0x12D60] =	vst v11  }
0x326: {  	v9 =	vand.u32 $0xFF, v9;
	v11 =	vld [tilespmem:s1+$0x6530]  }
0x327: {  	v9 =	vxor.u32 $0x80, v9;
	v8 =	vand.u32 $0xFF, v8;
	v14 =	vld [tilespmem:s1+$0x6590];
	[tilespmem:s25+$0x12DB0] =	vst v7  }
0x328: {  	v7 =	vxor.u32 $0x80, v8;
	v8 =	vand.u32 $0xFF, v12;
	v10 =	vld.idx.msk [tilespmem:v10+s3+$0x0], $0xffff  }
0x329: {  	v8 =	vxor.u32 $0x80, v8;
	v12 =	vld [tilespmem:s1+$0x6540];
	v5 =	vand.u32 $0xFF, v5  }
0x32a: {  	v6 =	vand.u32 $0xFF, v6;
	v15 =	vld.idx.msk [tilespmem:v4+s3+$0x0], $0xffff;
	v5 =	vxor.u32 $0x80, v5  }
0x32b: {  	v6 =	vxor.u32 $0x80, v6;
	v4 =	vand.u32 $0xFF, v11;
	v11 =	vld [tilespmem:s25+$0x65E0]  }
0x32c: {  	v4 =	vxor.u32 $0x80, v4;
	v9 =	vld.idx.msk [tilespmem:v9+s3+$0x0], $0xffff  }
0x32d: {  	v14 =	vand.u32 $0xFF, v14;
	v7 =	vld.idx.msk [tilespmem:v7+s3+$0x0], $0xffff  }
0x32e: {  	v14 =	vxor.u32 $0x80, v14;
	v12 =	vand.u32 $0xFF, v12;
	v16 =	vld [tilespmem:s1+$0x65A0];
	[tilespmem:s25+$0x12DC0] =	vst v10  }
0x32f: {  	v10 =	vxor.u32 $0x80, v12;
	v5 =	vld.idx.msk [tilespmem:v5+s3+$0x0], $0xffff  }
0x330: {  	v12 =	vld [tilespmem:s1+$0x6550];
	[tilespmem:s25+$0x12D30] =	vst v15;
	v11 =	vand.u32 $0xFF, v11  }
0x331: {  	v15 =	vld.idx.msk [tilespmem:v3+s3+$0x0], $0xffff;
	v11 =	vxor.u32 $0x80, v11;
	v3 =	vmov v10  }
0x332: {  	[tilespmem:s1+$0x12D80] =	vst v9;
	v9 =	vld [tilespmem:s25+$0x65F0]  }
0x333: {  	[tilespmem:s1+$0x12D00] =	vst v7;
	v7 =	vld.idx.msk [tilespmem:v14+s3+$0x0], $0xffff  }
0x334: {  	v10 =	vand.u32 $0xFF, v16;
	v8 =	vld.idx.msk [tilespmem:v8+s3+$0x0], $0xffff  }
0x335: {  	v10 =	vxor.u32 $0x80, v10;
	v12 =	vand.u32 $0xFF, v12;
	v14 =	vld [tilespmem:s1+$0x65B0];
	[tilespmem:s25+$0x12DD0] =	vst v5  }
0x336: {  	v5 =	vxor.u32 $0x80, v12;
	v11 =	vld.idx.msk [tilespmem:v11+s3+$0x0], $0xffff  }
0x337: {  	v12 =	vld [tilespmem:s1+$0x6560];
	[tilespmem:s25+$0x12D40] =	vst v15;
	v9 =	vand.u32 $0xFF, v9  }
0x338: {  	v15 =	vld.idx.msk [tilespmem:v2+s3+$0x0], $0xffff;
	v16 =	vxor.u32 $0x80, v9;
	v2 =	vmov v5  }
0x339: {  	v17 =	vld [tilespmem:s1+$0x6570];
	[tilespmem:s1+$0x12D90] =	vst v7  }
.Ltmp3:
0x33a: {  	[tilespmem:s1+$0x12D10] =	vst v8;
	v7 =	vld.idx.msk [tilespmem:v10+s3+$0x0], $0xffff;
	(pc) =	sbr.rel @p0 .LBB2_8-.Ltmp3, $4  }
0x33b: {  	v5 =	vand.u32 $0xFF, v14;
	v8 =	vld.idx.msk [tilespmem:v6+s3+$0x0], $0xffff  }
0x33c: {  	v6 =	vand.u32 $0xFF, v12;
	v12 =	vxor.u32 $0x80, v5;
	v10 =	vld [tilespmem:s1+$0x65C0];
	[tilespmem:s25+$0x12DE0] =	vst v11  }
0x33d: {  	v9 =	vxor.u32 $0x80, v6;
	v5 =	vld.idx.msk [tilespmem:v16+s3+$0x0], $0xffff  }
0x33e: {  	s16 =	sadd.s32 $0x400, s16;
	v11 =	vand.u32 $0xFF, v17;
	[tilespmem:s25+$0x12D50] =	vst v15;
	v6 =	vld.idx.msk [tilespmem:v0+s3+$0x0], $0xffff;
	v0 =	vmov v13  }
0x33f: {  	_ =	sdelay $0x2  }
0x340: {  	[tilespmem:s1+$0x12DA0] =	vst v7;
	v54 =	vld [tilespmem:s1+$0x65D0]  }
0x341: {  	v7 =	vld.idx.msk [tilespmem:v12+s3+$0x0], $0xffff;
	[tilespmem:s1+$0x12D20] =	vst v8;
	v10 =	vand.u32 $0xFF, v10  }
0x342: {  	v4 =	vld.idx.msk [tilespmem:v4+s3+$0x0], $0xffff;
	v53 =	vxor.u32 $0x80, v10;
	_ =	sdelay $0x3  }
0x343: {  	v56 =	vld [tilespmem:s1+$0x65E0];
	[tilespmem:s1+$0x12DB0] =	vst v7  }
0x344: {  	v55 =	vand.u32 $0xFF, v54;
	[tilespmem:s1+$0x12D30] =	vst v4;
	v7 =	vld.idx.msk [tilespmem:v53+s3+$0x0], $0xffff  }
0x345: {  	v8 =	vxor.u32 $0x80, v55;
	v3 =	vld.idx.msk [tilespmem:v3+s3+$0x0], $0xffff;
	_ =	sdelay $0x3  }
0x346: {  	v59 =	vld [tilespmem:s1+$0x65F0];
	[tilespmem:s1+$0x12DC0] =	vst v7  }
0x347: {  	v58 =	vand.u32 $0xFF, v56;
	[tilespmem:s1+$0x12D40] =	vst v3;
	v57 =	vld.idx.msk [tilespmem:v8+s3+$0x0], $0xffff  }
0x348: {  	v7 =	vxor.u32 $0x80, v58;
	v2 =	vld.idx.msk [tilespmem:v2+s3+$0x0], $0xffff;
	_ =	sdelay $0x3  }
0x349: {  	v1 =	vld.idx.msk [tilespmem:v1+s3+$0x0], $0xffff;
	[tilespmem:s1+$0x12DD0] =	vst v57  }
0x34a: {  	v61 =	vand.u32 $0xFF, v59;
	[tilespmem:s1+$0x12D50] =	vst v2;
	v60 =	vld.idx.msk [tilespmem:v7+s3+$0x0], $0xffff  }
0x34b: {  	v4 =	vxor.u32 $0x80, v61;
	v2 =	vld.idx.msk [tilespmem:v9+s3+$0x0], $0xffff  }
0x34c: {  	v62 =	vxor.u32 $0x80, v11;
	_ =	sdelay $0x1  }
0x34d: {  	[tilespmem:s25+$0x12D60] =	vst v1  }
0x34e: {  	v0 =	vld.idx.msk [tilespmem:v0+s3+$0x0], $0xffff;
	[tilespmem:s1+$0x12DE0] =	vst v60  }
0x34f: {  	[tilespmem:s1+$0x12D60] =	vst v2;
	v63 =	vld.idx.msk [tilespmem:v4+s3+$0x0], $0xffff  }
0x350: {  	v2 =	vld.idx.msk [tilespmem:v62+s3+$0x0], $0xffff  }
0x351: {  	[tilespmem:s25+$0x12DF0] =	vst v5  }
0x352: {  	[tilespmem:s0+$0x12D70] =	vst v6  }
0x353: {  	[tilespmem:s25+$0x12D70] =	vst v0  }
0x354: {  	[tilespmem:s1+$0x12DF0] =	vst v63  }
0x355: {  	s24 =	sadd.s32 $0x1, s24;
	[tilespmem:s1+$0x12D70] =	vst v2  }
0x356: {  	[hbm4b:s11+s14] =	stream.strided.scatter [tilespmem:s21], [sflag:$0x4], $0x6400, s15, s14, $0x38;
	[tilespmem:$0x19100] =	vst v63  }
0x357: {  	p0 =	sne.s32 s24, s12;
	_ =	swait.ge [sflag:s22], $0x6400  }
.Ltmp4:
0x358: {  	[sflag:s22] =	ssyncset.done $0x0;
	(pc) =	sbr.rel @p0 .LBB2_1-.Ltmp4, $4  }
0x359: {  	[sflag:s22] =	ssyncadd.s32 $0xFFFF9C00  }
0x35a: {  	_ =	swait.ge [sflag:s23], $0x6400  }
0x35b: {  	[sflag:s23] =	ssyncset.done $0x0  }
0x35c: {  	[sflag:s23] =	ssyncadd.s32 $0xFFFF9C00  }
0x35d: {  	_ =	sfence.sel $0x180000  }
0x35e: {  	[bflag:$0x0] =	sbarrier.arrive $0xFFFF  }
0x35f: {  	_ =	strace $0x90000047  }
0x360: {  	s0 =	stileid.u32;
	[bflag:$0x2] =	sbarrier.arrive $0xFFFF  }
0x361: {  	p0 =	sne.s32 s0, $0x0;
	s0 =	rddreg [dreg:$0x3]  }
0x362: {  	s0 =	sadd.s32 @!p0 $0x100000, s0  }
0x363: {  	[sflag:s0] =	ssyncadd.tile.s32 @!p0 $0x1;
	_ =	shalt  }
.Lfunc_end2:
_tile_overlayer_lowered:
.L_overlay_start_2:
0x364: {  	(tag) =	ssettag $0x2  }
0x365: {  	s0 =	rddreg [dreg:$0x0];
	s2 =	stileid.u32  }
0x366: {  	s1 =	rddreg [dreg:$0x1];
	p0 =	sne.s32 s2, $0x0  }
0x367: {  	s3 =	rddreg [dreg:$0x2];
	[bflag:$0x3] =	sbarrier.arrive $0xFFFF;
	s2 =	simm.s32 @!p0 $0x1C05  }
0x368: {  	[timem:s3], [sflag:s2] =	dma.local @!p0 [hbm:s0], s1  }
0x369: {  	s0 =	simm.s32 @!p0 $0x5  }
0x36a: {  	_ =	swait.ge @!p0 [sflag:s0], s1  }
0x36b: {  	s1 =	ssub.s32 @!p0 $0x0, s1;
	[sflag:s0] =	ssyncset.done @!p0 $0x0  }
0x36c: {  	[sflag:s0] =	ssyncadd.s32 @!p0 s1  }
0x36d: {  	[bflag:$0x3] =	sbarrier.arrive $0xFFFF  }
0x36e: {  	_ =	shalt  }

</sc_bundles>
